<compile_context>
chip_gen: v7x
topology: tpu7x:2x2x1
jax: 0.10.2.dev20260603
libtpu: 0.0.44.dev20260713+nightly
codegen_flags: <defaults>
</compile_context>

<pallas_src>
import functools

import jax
import jax.numpy as jnp
from jax import lax
from jax.experimental import pallas as pl
from jax.experimental.pallas import tpu as pltpu
from jax.experimental.pallas import tpu_sc as plsc

_NUM_CLASSES = 100000
_LATENT_DIM = 128
_BATCH = 16384
_FIELDS = 26

_NW = 32
_CHUNK = 104
_NBUF = 8
_B_PER_W = (_BATCH * _FIELDS) // _NW
_N_CHUNKS = _B_PER_W // _CHUNK


def _gather_kernel(idx_hbm, table_hbm, out_hbm, idx_v, ssem, *bufs):
    rows = bufs[:_NBUF]
    gsem = bufs[_NBUF:2 * _NBUF]
    wsem = bufs[2 * _NBUF:]
    wid = lax.axis_index("s") * 2 + lax.axis_index("c")
    base = wid * _B_PER_W

    _NSEG = _B_PER_W // 1024
    for t in range(_NSEG):
        g = wid * _NSEG + t
        f = g // (_BATCH // 1024)
        b0 = (g % (_BATCH // 1024)) * 1024
        pltpu.async_copy(idx_hbm.at[f, pl.ds(b0, 1024)],
                         idx_v.at[pl.ds(t * 1024, 1024)], ssem)
    for t in range(_NSEG):
        pltpu.make_async_copy(idx_hbm.at[0, pl.ds(0, 1024)],
                              idx_v.at[pl.ds(0, 1024)], ssem).wait()

    def start_gather(i, b):
        pltpu.async_copy(
            table_hbm.at[idx_v.at[pl.ds(i * _CHUNK, _CHUNK)]], rows[b],
            gsem[b])

    def wait_gather(b):
        pltpu.make_async_copy(
            table_hbm.at[idx_v.at[pl.ds(0, _CHUNK)]], rows[b],
            gsem[b]).wait()

    def start_write(i, b):
        pltpu.async_copy(
            rows[b], out_hbm.at[pl.ds(base + i * _CHUNK, _CHUNK)], wsem[b])

    def wait_write(b):
        pltpu.make_async_copy(
            rows[b], out_hbm.at[pl.ds(base, _CHUNK)], wsem[b]).wait()

    start_gather(0, 0)
    start_gather(1, 1)
    start_gather(2, 2)
    for j in range(_NBUF - 3):
        wait_gather(j)
        start_write(j, j)
        start_gather(j + 3, j + 3)
    for j in (_NBUF - 3, _NBUF - 2, _NBUF - 1):
        wait_gather(j)
        start_write(j, j)
        wait_write((j + 3) % _NBUF)
        start_gather(j + 3, (j + 3) % _NBUF)

    def body(g, carry):
        for k in range(_NBUF):
            j = _NBUF * (g + 1) + k
            wait_gather(k)
            start_write(j, k)
            wait_write((k + 3) % _NBUF)
            start_gather(j + 3, (k + 3) % _NBUF)
        return carry

    lax.fori_loop(0, (_N_CHUNKS - 2 * _NBUF) // _NBUF, body, 0)

    for j in range(_N_CHUNKS - _NBUF, _N_CHUNKS):
        k = j % _NBUF
        wait_gather(k)
        start_write(j, k)
        if j + 3 < _N_CHUNKS:
            wait_write((k + 3) % _NBUF)
            start_gather(j + 3, (k + 3) % _NBUF)
    for k in range(_NBUF):
        wait_write(k)


def kernel(labels, table):
    flat = labels.astype(jnp.int32).T
    mesh = plsc.VectorSubcoreMesh(core_axis_name="c", subcore_axis_name="s")
    call = functools.partial(
        pl.kernel,
        mesh=mesh,
        out_type=jax.ShapeDtypeStruct((_BATCH * _FIELDS, _LATENT_DIM),
                                      jnp.float32),
        compiler_params=pltpu.CompilerParams(use_tc_tiling_on_sc=True),
        scratch_types=(
            [pltpu.VMEM((_B_PER_W,), jnp.int32), pltpu.SemaphoreType.DMA]
            + [pltpu.VMEM((_CHUNK, _LATENT_DIM), jnp.float32)] * _NBUF
            + [pltpu.SemaphoreType.DMA] * (2 * _NBUF)
        ),
    )(_gather_kernel)
    out = call(flat, table)
    return out.reshape(_FIELDS, _BATCH, _LATENT_DIM).transpose(1, 0, 2)

# --- scband reference (transcript-rebuilt; emitter-appended) ---
"""Pipeline reference for scband-label-mapping-53704271069192 (READ-ONLY COPY).

The authoritative reference and input builder live on the scoring server;
editing this copy changes nothing except your own understanding.
"""

import jax, jax.numpy as jnp
import numpy as np

NUM_CLASSES = 100000
LATENT_DIM = 128
BATCH = 16384
FIELDS = 26

def setup_inputs(seed: int = 0) -> dict:
    key = jax.random.key(seed)
    k1, k2 = jax.random.split(key)
    labels = jax.random.randint(k1, (BATCH, FIELDS), 0, NUM_CLASSES, dtype=jnp.int64 if jax.config.read('jax_enable_x64') else jnp.int32)
    # Embedding table (nn.Embedding default init: N(0,1))
    table = jax.random.normal(k2, (NUM_CLASSES, LATENT_DIM), dtype=jnp.float32)
    return {"labels": labels, "table": table}

def reference(labels, table):
    # one_hot=False branch: self.embbedings(labels)
    return jnp.take(table, labels, axis=0)

if __name__ == "__main__":
    import jax
    _d = setup_inputs()
    print(jax.jit(kernel)(*tuple(_d.values())))

</pallas_src>

<mosaic_0001>
#map = affine_map<(d0, d1) -> (0, 0)>
module attributes {stable_mosaic.version = 14 : i64} {
  func.func @_gather_kernel(%arg0: i32, %arg1: i32, %arg2: memref<26x16384xi32, #tpu.memory_space<hbm>>, %arg3: memref<100000x128xf32, #tpu.memory_space<hbm>>, %arg4: memref<425984x128xf32, #tpu.memory_space<hbm>>, %arg5: memref<13312xi32, #tpu.memory_space<vmem>>, %arg6: memref<!tpu.dma_semaphore, #tpu.memory_space<semaphore_mem>>, %arg7: memref<104x128xf32, #tpu.memory_space<vmem>>, %arg8: memref<104x128xf32, #tpu.memory_space<vmem>>, %arg9: memref<104x128xf32, #tpu.memory_space<vmem>>, %arg10: memref<104x128xf32, #tpu.memory_space<vmem>>, %arg11: memref<104x128xf32, #tpu.memory_space<vmem>>, %arg12: memref<104x128xf32, #tpu.memory_space<vmem>>, %arg13: memref<104x128xf32, #tpu.memory_space<vmem>>, %arg14: memref<104x128xf32, #tpu.memory_space<vmem>>, %arg15: memref<!tpu.dma_semaphore, #tpu.memory_space<semaphore_mem>>, %arg16: memref<!tpu.dma_semaphore, #tpu.memory_space<semaphore_mem>>, %arg17: memref<!tpu.dma_semaphore, #tpu.memory_space<semaphore_mem>>, %arg18: memref<!tpu.dma_semaphore, #tpu.memory_space<semaphore_mem>>, %arg19: memref<!tpu.dma_semaphore, #tpu.memory_space<semaphore_mem>>, %arg20: memref<!tpu.dma_semaphore, #tpu.memory_space<semaphore_mem>>, %arg21: memref<!tpu.dma_semaphore, #tpu.memory_space<semaphore_mem>>, %arg22: memref<!tpu.dma_semaphore, #tpu.memory_space<semaphore_mem>>, %arg23: memref<!tpu.dma_semaphore, #tpu.memory_space<semaphore_mem>>, %arg24: memref<!tpu.dma_semaphore, #tpu.memory_space<semaphore_mem>>, %arg25: memref<!tpu.dma_semaphore, #tpu.memory_space<semaphore_mem>>, %arg26: memref<!tpu.dma_semaphore, #tpu.memory_space<semaphore_mem>>, %arg27: memref<!tpu.dma_semaphore, #tpu.memory_space<semaphore_mem>>, %arg28: memref<!tpu.dma_semaphore, #tpu.memory_space<semaphore_mem>>, %arg29: memref<!tpu.dma_semaphore, #tpu.memory_space<semaphore_mem>>, %arg30: memref<!tpu.dma_semaphore, #tpu.memory_space<semaphore_mem>>) attributes {dimension_semantics = [#tpu.dimension_semantics<core_parallel>, #tpu.dimension_semantics<subcore_parallel>], iteration_bounds = array<i64: 2, 16>, scalar_prefetch = 0 : i64, scratch_operands = 26 : i64, tpu.core_type = #tpu.core_type<sc_vector_subcore>, window_params = [{transform_indices = #map}, {transform_indices = #map}, {transform_indices = #map}]} {
    %mul3A = arith.constant 2 : i32
    %mul3A_0 = arith.muli %arg1, %mul3A : i32
    %add3A = arith.addi %mul3A_0, %arg0 : i32
    %mul3A_1 = arith.constant 13312 : i32
    %mul3A_2 = arith.muli %add3A, %mul3A_1 : i32
    %mul3A_3 = arith.constant 13 : i32
    %mul3A_4 = arith.muli %add3A, %mul3A_3 : i32
    %add3A_5 = arith.constant 0 : i32
    %add3A_6 = arith.addi %mul3A_4, %add3A_5 : i32
    %jit3A = arith.constant 16 : i32
    %div3A = arith.divsi %add3A_6, %jit3A : i32
    %sign3A = arith.constant 0 : i32
    %sign3A_7 = arith.cmpi sgt, %add3A_6, %sign3A : i32
    %sign3A_8 = arith.extui %sign3A_7 : i1 to i32
    %sign3A_9 = arith.constant 0 : i32
    %sign3A_10 = arith.cmpi slt, %add3A_6, %sign3A_9 : i32
    %sign3A_11 = arith.extui %sign3A_10 : i1 to i32
    %sign3A_12 = arith.subi %sign3A_8, %sign3A_11 : i32
    %sign3A_13 = arith.constant 0 : i32
    %sign3A_14 = arith.cmpi sgt, %jit3A, %sign3A_13 : i32
    %sign3A_15 = arith.extui %sign3A_14 : i1 to i32
    %sign3A_16 = arith.constant 0 : i32
    %sign3A_17 = arith.cmpi slt, %jit3A, %sign3A_16 : i32
    %sign3A_18 = arith.extui %sign3A_17 : i1 to i32
    %sign3A_19 = arith.subi %sign3A_15, %sign3A_18 : i32
    %ne3A = arith.cmpi ne, %sign3A_12, %sign3A_19 : i32
    %rem3A = arith.remsi %add3A_6, %jit3A : i32
    %ne3A_20 = arith.constant 0 : i32
    %ne3A_21 = arith.cmpi ne, %rem3A, %ne3A_20 : i32
    %and3A = arith.andi %ne3A, %ne3A_21 : i1
    %sub3A = arith.constant 1 : i32
    %sub3A_22 = arith.subi %div3A, %sub3A : i32
    %select_n3A = arith.select %and3A, %sub3A_22, %div3A : i32
    %jit3A_23 = arith.constant 16 : i32
    %eq3A = arith.constant 0 : i32
    %eq3A_24 = arith.cmpi eq, %jit3A_23, %eq3A : i32
    %jit3A_25 = arith.constant 1 : i32
    %select_n3A_26 = arith.select %eq3A_24, %jit3A_25, %jit3A_23 : i32
    %rem3A_27 = arith.remsi %add3A_6, %select_n3A_26 : i32
    %ne3A_28 = arith.constant 0 : i32
    %ne3A_29 = arith.cmpi ne, %rem3A_27, %ne3A_28 : i32
    %lt3A = arith.constant 0 : i32
    %lt3A_30 = arith.cmpi slt, %rem3A_27, %lt3A : i32
    %lt3A_31 = arith.constant 0 : i32
    %lt3A_32 = arith.cmpi slt, %select_n3A_26, %lt3A_31 : i32
    %ne3A_33 = arith.xori %lt3A_30, %lt3A_32 : i1
    %and3A_34 = arith.andi %ne3A_33, %ne3A_29 : i1
    %add3A_35 = arith.addi %rem3A_27, %select_n3A_26 : i32
    %select_n3A_36 = arith.select %and3A_34, %add3A_35, %rem3A_27 : i32
    %mul3A_37 = arith.constant 1024 : i32
    %mul3A_38 = arith.muli %select_n3A_36, %mul3A_37 : i32
    %dma_start3A = arith.constant 0 : i32
    %dma_start3A_39 = tpu.memref_slice %arg5[%dma_start3A] : memref<13312xi32, #tpu.memory_space<vmem>> -> memref<1024xi32, #tpu.memory_space<vmem>>
    %dma_start3A_40 = tpu.memref_slice %arg2[%select_n3A, %mul3A_38] : memref<26x16384xi32, #tpu.memory_space<hbm>> -> memref<1x1024xi32, #tpu.memory_space<hbm>>
    %dma_start3A_41 = tpu.memref_squeeze %dma_start3A_40 : memref<1x1024xi32, #tpu.memory_space<hbm>> -> memref<1024xi32, #tpu.memory_space<hbm>>
    %dma_start3A_42 = arith.constant 0 : i32
    %dma_start3A_43 = tpu.memref_slice %arg5[%dma_start3A_42] : memref<13312xi32, #tpu.memory_space<vmem>> -> memref<1024xi32, #tpu.memory_space<vmem>>
    %dma_start3A_44 = tpu.memref_slice %arg2[%select_n3A, %mul3A_38] : memref<26x16384xi32, #tpu.memory_space<hbm>> -> memref<1x1024xi32, #tpu.memory_space<hbm>>
    %dma_start3A_45 = tpu.memref_squeeze %dma_start3A_44 : memref<1x1024xi32, #tpu.memory_space<hbm>> -> memref<1024xi32, #tpu.memory_space<hbm>>
    tpu.enqueue_dma source(%dma_start3A_45 : memref<1024xi32, #tpu.memory_space<hbm>>) target(%dma_start3A_43 : memref<1024xi32, #tpu.memory_space<vmem>>) target_semaphore(%arg6 : memref<!tpu.dma_semaphore, #tpu.memory_space<semaphore_mem>>)
    %mul3A_46 = arith.constant 13 : i32
    %mul3A_47 = arith.muli %add3A, %mul3A_46 : i32
    %add3A_48 = arith.constant 1 : i32
    %add3A_49 = arith.addi %mul3A_47, %add3A_48 : i32
    %jit3A_50 = arith.constant 16 : i32
    %div3A_51 = arith.divsi %add3A_49, %jit3A_50 : i32
    %sign3A_52 = arith.constant 0 : i32
    %sign3A_53 = arith.cmpi sgt, %add3A_49, %sign3A_52 : i32
    %sign3A_54 = arith.extui %sign3A_53 : i1 to i32
    %sign3A_55 = arith.constant 0 : i32
    %sign3A_56 = arith.cmpi slt, %add3A_49, %sign3A_55 : i32
    %sign3A_57 = arith.extui %sign3A_56 : i1 to i32
    %sign3A_58 = arith.subi %sign3A_54, %sign3A_57 : i32
    %sign3A_59 = arith.constant 0 : i32
    %sign3A_60 = arith.cmpi sgt, %jit3A_50, %sign3A_59 : i32
    %sign3A_61 = arith.extui %sign3A_60 : i1 to i32
    %sign3A_62 = arith.constant 0 : i32
    %sign3A_63 = arith.cmpi slt, %jit3A_50, %sign3A_62 : i32
    %sign3A_64 = arith.extui %sign3A_63 : i1 to i32
    %sign3A_65 = arith.subi %sign3A_61, %sign3A_64 : i32
    %ne3A_66 = arith.cmpi ne, %sign3A_58, %sign3A_65 : i32
    %rem3A_67 = arith.remsi %add3A_49, %jit3A_50 : i32
    %ne3A_68 = arith.constant 0 : i32
    %ne3A_69 = arith.cmpi ne, %rem3A_67, %ne3A_68 : i32
    %and3A_70 = arith.andi %ne3A_66, %ne3A_69 : i1
    %sub3A_71 = arith.constant 1 : i32
    %sub3A_72 = arith.subi %div3A_51, %sub3A_71 : i32
    %select_n3A_73 = arith.select %and3A_70, %sub3A_72, %div3A_51 : i32
    %jit3A_74 = arith.constant 16 : i32
    %eq3A_75 = arith.constant 0 : i32
    %eq3A_76 = arith.cmpi eq, %jit3A_74, %eq3A_75 : i32
    %jit3A_77 = arith.constant 1 : i32
    %select_n3A_78 = arith.select %eq3A_76, %jit3A_77, %jit3A_74 : i32
    %rem3A_79 = arith.remsi %add3A_49, %select_n3A_78 : i32
    %ne3A_80 = arith.constant 0 : i32
    %ne3A_81 = arith.cmpi ne, %rem3A_79, %ne3A_80 : i32
    %lt3A_82 = arith.constant 0 : i32
    %lt3A_83 = arith.cmpi slt, %rem3A_79, %lt3A_82 : i32
    %lt3A_84 = arith.constant 0 : i32
    %lt3A_85 = arith.cmpi slt, %select_n3A_78, %lt3A_84 : i32
    %ne3A_86 = arith.xori %lt3A_83, %lt3A_85 : i1
    %and3A_87 = arith.andi %ne3A_86, %ne3A_81 : i1
    %add3A_88 = arith.addi %rem3A_79, %select_n3A_78 : i32
    %select_n3A_89 = arith.select %and3A_87, %add3A_88, %rem3A_79 : i32
    %mul3A_90 = arith.constant 1024 : i32
    %mul3A_91 = arith.muli %select_n3A_89, %mul3A_90 : i32
    %dma_start3A_92 = arith.constant 1024 : i32
    %dma_start3A_93 = tpu.memref_slice %arg5[%dma_start3A_92] : memref<13312xi32, #tpu.memory_space<vmem>> -> memref<1024xi32, #tpu.memory_space<vmem>>
    %dma_start3A_94 = tpu.memref_slice %arg2[%select_n3A_73, %mul3A_91] : memref<26x16384xi32, #tpu.memory_space<hbm>> -> memref<1x1024xi32, #tpu.memory_space<hbm>>
    %dma_start3A_95 = tpu.memref_squeeze %dma_start3A_94 : memref<1x1024xi32, #tpu.memory_space<hbm>> -> memref<1024xi32, #tpu.memory_space<hbm>>
    %dma_start3A_96 = arith.constant 1024 : i32
    %dma_start3A_97 = tpu.memref_slice %arg5[%dma_start3A_96] : memref<13312xi32, #tpu.memory_space<vmem>> -> memref<1024xi32, #tpu.memory_space<vmem>>
    %dma_start3A_98 = tpu.memref_slice %arg2[%select_n3A_73, %mul3A_91] : memref<26x16384xi32, #tpu.memory_space<hbm>> -> memref<1x1024xi32, #tpu.memory_space<hbm>>
    %dma_start3A_99 = tpu.memref_squeeze %dma_start3A_98 : memref<1x1024xi32, #tpu.memory_space<hbm>> -> memref<1024xi32, #tpu.memory_space<hbm>>
    tpu.enqueue_dma source(%dma_start3A_99 : memref<1024xi32, #tpu.memory_space<hbm>>) target(%dma_start3A_97 : memref<1024xi32, #tpu.memory_space<vmem>>) target_semaphore(%arg6 : memref<!tpu.dma_semaphore, #tpu.memory_space<semaphore_mem>>)
    %mul3A_100 = arith.constant 13 : i32
    %mul3A_101 = arith.muli %add3A, %mul3A_100 : i32
    %add3A_102 = arith.constant 2 : i32
    %add3A_103 = arith.addi %mul3A_101, %add3A_102 : i32
    %jit3A_104 = arith.constant 16 : i32
    %div3A_105 = arith.divsi %add3A_103, %jit3A_104 : i32
    %sign3A_106 = arith.constant 0 : i32
    %sign3A_107 = arith.cmpi sgt, %add3A_103, %sign3A_106 : i32
    %sign3A_108 = arith.extui %sign3A_107 : i1 to i32
    %sign3A_109 = arith.constant 0 : i32
    %sign3A_110 = arith.cmpi slt, %add3A_103, %sign3A_109 : i32
    %sign3A_111 = arith.extui %sign3A_110 : i1 to i32
    %sign3A_112 = arith.subi %sign3A_108, %sign3A_111 : i32
    %sign3A_113 = arith.constant 0 : i32
    %sign3A_114 = arith.cmpi sgt, %jit3A_104, %sign3A_113 : i32
    %sign3A_115 = arith.extui %sign3A_114 : i1 to i32
    %sign3A_116 = arith.constant 0 : i32
    %sign3A_117 = arith.cmpi slt, %jit3A_104, %sign3A_116 : i32
    %sign3A_118 = arith.extui %sign3A_117 : i1 to i32
    %sign3A_119 = arith.subi %sign3A_115, %sign3A_118 : i32
    %ne3A_120 = arith.cmpi ne, %sign3A_112, %sign3A_119 : i32
    %rem3A_121 = arith.remsi %add3A_103, %jit3A_104 : i32
    %ne3A_122 = arith.constant 0 : i32
    %ne3A_123 = arith.cmpi ne, %rem3A_121, %ne3A_122 : i32
    %and3A_124 = arith.andi %ne3A_120, %ne3A_123 : i1
    %sub3A_125 = arith.constant 1 : i32
    %sub3A_126 = arith.subi %div3A_105, %sub3A_125 : i32
    %select_n3A_127 = arith.select %and3A_124, %sub3A_126, %div3A_105 : i32
    %jit3A_128 = arith.constant 16 : i32
    %eq3A_129 = arith.constant 0 : i32
    %eq3A_130 = arith.cmpi eq, %jit3A_128, %eq3A_129 : i32
    %jit3A_131 = arith.constant 1 : i32
    %select_n3A_132 = arith.select %eq3A_130, %jit3A_131, %jit3A_128 : i32
    %rem3A_133 = arith.remsi %add3A_103, %select_n3A_132 : i32
    %ne3A_134 = arith.constant 0 : i32
    %ne3A_135 = arith.cmpi ne, %rem3A_133, %ne3A_134 : i32
    %lt3A_136 = arith.constant 0 : i32
    %lt3A_137 = arith.cmpi slt, %rem3A_133, %lt3A_136 : i32
    %lt3A_138 = arith.constant 0 : i32
    %lt3A_139 = arith.cmpi slt, %select_n3A_132, %lt3A_138 : i32
    %ne3A_140 = arith.xori %lt3A_137, %lt3A_139 : i1
    %and3A_141 = arith.andi %ne3A_140, %ne3A_135 : i1
    %add3A_142 = arith.addi %rem3A_133, %select_n3A_132 : i32
    %select_n3A_143 = arith.select %and3A_141, %add3A_142, %rem3A_133 : i32
    %mul3A_144 = arith.constant 1024 : i32
    %mul3A_145 = arith.muli %select_n3A_143, %mul3A_144 : i32
    %dma_start3A_146 = arith.constant 2048 : i32
    %dma_start3A_147 = tpu.memref_slice %arg5[%dma_start3A_146] : memref<13312xi32, #tpu.memory_space<vmem>> -> memref<1024xi32, #tpu.memory_space<vmem>>
    %dma_start3A_148 = tpu.memref_slice %arg2[%select_n3A_127, %mul3A_145] : memref<26x16384xi32, #tpu.memory_space<hbm>> -> memref<1x1024xi32, #tpu.memory_space<hbm>>
    %dma_start3A_149 = tpu.memref_squeeze %dma_start3A_148 : memref<1x1024xi32, #tpu.memory_space<hbm>> -> memref<1024xi32, #tpu.memory_space<hbm>>
    %dma_start3A_150 = arith.constant 2048 : i32
    %dma_start3A_151 = tpu.memref_slice %arg5[%dma_start3A_150] : memref<13312xi32, #tpu.memory_space<vmem>> -> memref<1024xi32, #tpu.memory_space<vmem>>
    %dma_start3A_152 = tpu.memref_slice %arg2[%select_n3A_127, %mul3A_145] : memref<26x16384xi32, #tpu.memory_space<hbm>> -> memref<1x1024xi32, #tpu.memory_space<hbm>>
    %dma_start3A_153 = tpu.memref_squeeze %dma_start3A_152 : memref<1x1024xi32, #tpu.memory_space<hbm>> -> memref<1024xi32, #tpu.memory_space<hbm>>
    tpu.enqueue_dma source(%dma_start3A_153 : memref<1024xi32, #tpu.memory_space<hbm>>) target(%dma_start3A_151 : memref<1024xi32, #tpu.memory_space<vmem>>) target_semaphore(%arg6 : memref<!tpu.dma_semaphore, #tpu.memory_space<semaphore_mem>>)
    %mul3A_154 = arith.constant 13 : i32
    %mul3A_155 = arith.muli %add3A, %mul3A_154 : i32
    %add3A_156 = arith.constant 3 : i32
    %add3A_157 = arith.addi %mul3A_155, %add3A_156 : i32
    %jit3A_158 = arith.constant 16 : i32
    %div3A_159 = arith.divsi %add3A_157, %jit3A_158 : i32
    %sign3A_160 = arith.constant 0 : i32
    %sign3A_161 = arith.cmpi sgt, %add3A_157, %sign3A_160 : i32
    %sign3A_162 = arith.extui %sign3A_161 : i1 to i32
    %sign3A_163 = arith.constant 0 : i32
    %sign3A_164 = arith.cmpi slt, %add3A_157, %sign3A_163 : i32
    %sign3A_165 = arith.extui %sign3A_164 : i1 to i32
    %sign3A_166 = arith.subi %sign3A_162, %sign3A_165 : i32
    %sign3A_167 = arith.constant 0 : i32
    %sign3A_168 = arith.cmpi sgt, %jit3A_158, %sign3A_167 : i32
    %sign3A_169 = arith.extui %sign3A_168 : i1 to i32
    %sign3A_170 = arith.constant 0 : i32
    %sign3A_171 = arith.cmpi slt, %jit3A_158, %sign3A_170 : i32
    %sign3A_172 = arith.extui %sign3A_171 : i1 to i32
    %sign3A_173 = arith.subi %sign3A_169, %sign3A_172 : i32
    %ne3A_174 = arith.cmpi ne, %sign3A_166, %sign3A_173 : i32
    %rem3A_175 = arith.remsi %add3A_157, %jit3A_158 : i32
    %ne3A_176 = arith.constant 0 : i32
    %ne3A_177 = arith.cmpi ne, %rem3A_175, %ne3A_176 : i32
    %and3A_178 = arith.andi %ne3A_174, %ne3A_177 : i1
    %sub3A_179 = arith.constant 1 : i32
    %sub3A_180 = arith.subi %div3A_159, %sub3A_179 : i32
    %select_n3A_181 = arith.select %and3A_178, %sub3A_180, %div3A_159 : i32
    %jit3A_182 = arith.constant 16 : i32
    %eq3A_183 = arith.constant 0 : i32
    %eq3A_184 = arith.cmpi eq, %jit3A_182, %eq3A_183 : i32
    %jit3A_185 = arith.constant 1 : i32
    %select_n3A_186 = arith.select %eq3A_184, %jit3A_185, %jit3A_182 : i32
    %rem3A_187 = arith.remsi %add3A_157, %select_n3A_186 : i32
    %ne3A_188 = arith.constant 0 : i32
    %ne3A_189 = arith.cmpi ne, %rem3A_187, %ne3A_188 : i32
    %lt3A_190 = arith.constant 0 : i32
    %lt3A_191 = arith.cmpi slt, %rem3A_187, %lt3A_190 : i32
    %lt3A_192 = arith.constant 0 : i32
    %lt3A_193 = arith.cmpi slt, %select_n3A_186, %lt3A_192 : i32
    %ne3A_194 = arith.xori %lt3A_191, %lt3A_193 : i1
    %and3A_195 = arith.andi %ne3A_194, %ne3A_189 : i1
    %add3A_196 = arith.addi %rem3A_187, %select_n3A_186 : i32
    %select_n3A_197 = arith.select %and3A_195, %add3A_196, %rem3A_187 : i32
    %mul3A_198 = arith.constant 1024 : i32
    %mul3A_199 = arith.muli %select_n3A_197, %mul3A_198 : i32
    %dma_start3A_200 = arith.constant 3072 : i32
    %dma_start3A_201 = tpu.memref_slice %arg5[%dma_start3A_200] : memref<13312xi32, #tpu.memory_space<vmem>> -> memref<1024xi32, #tpu.memory_space<vmem>>
    %dma_start3A_202 = tpu.memref_slice %arg2[%select_n3A_181, %mul3A_199] : memref<26x16384xi32, #tpu.memory_space<hbm>> -> memref<1x1024xi32, #tpu.memory_space<hbm>>
    %dma_start3A_203 = tpu.memref_squeeze %dma_start3A_202 : memref<1x1024xi32, #tpu.memory_space<hbm>> -> memref<1024xi32, #tpu.memory_space<hbm>>
    %dma_start3A_204 = arith.constant 3072 : i32
    %dma_start3A_205 = tpu.memref_slice %arg5[%dma_start3A_204] : memref<13312xi32, #tpu.memory_space<vmem>> -> memref<1024xi32, #tpu.memory_space<vmem>>
    %dma_start3A_206 = tpu.memref_slice %arg2[%select_n3A_181, %mul3A_199] : memref<26x16384xi32, #tpu.memory_space<hbm>> -> memref<1x1024xi32, #tpu.memory_space<hbm>>
    %dma_start3A_207 = tpu.memref_squeeze %dma_start3A_206 : memref<1x1024xi32, #tpu.memory_space<hbm>> -> memref<1024xi32, #tpu.memory_space<hbm>>
    tpu.enqueue_dma source(%dma_start3A_207 : memref<1024xi32, #tpu.memory_space<hbm>>) target(%dma_start3A_205 : memref<1024xi32, #tpu.memory_space<vmem>>) target_semaphore(%arg6 : memref<!tpu.dma_semaphore, #tpu.memory_space<semaphore_mem>>)
    %mul3A_208 = arith.constant 13 : i32
    %mul3A_209 = arith.muli %add3A, %mul3A_208 : i32
    %add3A_210 = arith.constant 4 : i32
    %add3A_211 = arith.addi %mul3A_209, %add3A_210 : i32
    %jit3A_212 = arith.constant 16 : i32
    %div3A_213 = arith.divsi %add3A_211, %jit3A_212 : i32
    %sign3A_214 = arith.constant 0 : i32
    %sign3A_215 = arith.cmpi sgt, %add3A_211, %sign3A_214 : i32
    %sign3A_216 = arith.extui %sign3A_215 : i1 to i32
    %sign3A_217 = arith.constant 0 : i32
    %sign3A_218 = arith.cmpi slt, %add3A_211, %sign3A_217 : i32
    %sign3A_219 = arith.extui %sign3A_218 : i1 to i32
    %sign3A_220 = arith.subi %sign3A_216, %sign3A_219 : i32
    %sign3A_221 = arith.constant 0 : i32
    %sign3A_222 = arith.cmpi sgt, %jit3A_212, %sign3A_221 : i32
    %sign3A_223 = arith.extui %sign3A_222 : i1 to i32
    %sign3A_224 = arith.constant 0 : i32
    %sign3A_225 = arith.cmpi slt, %jit3A_212, %sign3A_224 : i32
    %sign3A_226 = arith.extui %sign3A_225 : i1 to i32
    %sign3A_227 = arith.subi %sign3A_223, %sign3A_226 : i32
    %ne3A_228 = arith.cmpi ne, %sign3A_220, %sign3A_227 : i32
    %rem3A_229 = arith.remsi %add3A_211, %jit3A_212 : i32
    %ne3A_230 = arith.constant 0 : i32
    %ne3A_231 = arith.cmpi ne, %rem3A_229, %ne3A_230 : i32
    %and3A_232 = arith.andi %ne3A_228, %ne3A_231 : i1
    %sub3A_233 = arith.constant 1 : i32
    %sub3A_234 = arith.subi %div3A_213, %sub3A_233 : i32
    %select_n3A_235 = arith.select %and3A_232, %sub3A_234, %div3A_213 : i32
    %jit3A_236 = arith.constant 16 : i32
    %eq3A_237 = arith.constant 0 : i32
    %eq3A_238 = arith.cmpi eq, %jit3A_236, %eq3A_237 : i32
    %jit3A_239 = arith.constant 1 : i32
    %select_n3A_240 = arith.select %eq3A_238, %jit3A_239, %jit3A_236 : i32
    %rem3A_241 = arith.remsi %add3A_211, %select_n3A_240 : i32
    %ne3A_242 = arith.constant 0 : i32
    %ne3A_243 = arith.cmpi ne, %rem3A_241, %ne3A_242 : i32
    %lt3A_244 = arith.constant 0 : i32
    %lt3A_245 = arith.cmpi slt, %rem3A_241, %lt3A_244 : i32
    %lt3A_246 = arith.constant 0 : i32
    %lt3A_247 = arith.cmpi slt, %select_n3A_240, %lt3A_246 : i32
    %ne3A_248 = arith.xori %lt3A_245, %lt3A_247 : i1
    %and3A_249 = arith.andi %ne3A_248, %ne3A_243 : i1
    %add3A_250 = arith.addi %rem3A_241, %select_n3A_240 : i32
    %select_n3A_251 = arith.select %and3A_249, %add3A_250, %rem3A_241 : i32
    %mul3A_252 = arith.constant 1024 : i32
    %mul3A_253 = arith.muli %select_n3A_251, %mul3A_252 : i32
    %dma_start3A_254 = arith.constant 4096 : i32
    %dma_start3A_255 = tpu.memref_slice %arg5[%dma_start3A_254] : memref<13312xi32, #tpu.memory_space<vmem>> -> memref<1024xi32, #tpu.memory_space<vmem>>
    %dma_start3A_256 = tpu.memref_slice %arg2[%select_n3A_235, %mul3A_253] : memref<26x16384xi32, #tpu.memory_space<hbm>> -> memref<1x1024xi32, #tpu.memory_space<hbm>>
    %dma_start3A_257 = tpu.memref_squeeze %dma_start3A_256 : memref<1x1024xi32, #tpu.memory_space<hbm>> -> memref<1024xi32, #tpu.memory_space<hbm>>
    %dma_start3A_258 = arith.constant 4096 : i32
    %dma_start3A_259 = tpu.memref_slice %arg5[%dma_start3A_258] : memref<13312xi32, #tpu.memory_space<vmem>> -> memref<1024xi32, #tpu.memory_space<vmem>>
    %dma_start3A_260 = tpu.memref_slice %arg2[%select_n3A_235, %mul3A_253] : memref<26x16384xi32, #tpu.memory_space<hbm>> -> memref<1x1024xi32, #tpu.memory_space<hbm>>
    %dma_start3A_261 = tpu.memref_squeeze %dma_start3A_260 : memref<1x1024xi32, #tpu.memory_space<hbm>> -> memref<1024xi32, #tpu.memory_space<hbm>>
    tpu.enqueue_dma source(%dma_start3A_261 : memref<1024xi32, #tpu.memory_space<hbm>>) target(%dma_start3A_259 : memref<1024xi32, #tpu.memory_space<vmem>>) target_semaphore(%arg6 : memref<!tpu.dma_semaphore, #tpu.memory_space<semaphore_mem>>)
    %mul3A_262 = arith.constant 13 : i32
    %mul3A_263 = arith.muli %add3A, %mul3A_262 : i32
    %add3A_264 = arith.constant 5 : i32
    %add3A_265 = arith.addi %mul3A_263, %add3A_264 : i32
    %jit3A_266 = arith.constant 16 : i32
    %div3A_267 = arith.divsi %add3A_265, %jit3A_266 : i32
    %sign3A_268 = arith.constant 0 : i32
    %sign3A_269 = arith.cmpi sgt, %add3A_265, %sign3A_268 : i32
    %sign3A_270 = arith.extui %sign3A_269 : i1 to i32
    %sign3A_271 = arith.constant 0 : i32
    %sign3A_272 = arith.cmpi slt, %add3A_265, %sign3A_271 : i32
    %sign3A_273 = arith.extui %sign3A_272 : i1 to i32
    %sign3A_274 = arith.subi %sign3A_270, %sign3A_273 : i32
    %sign3A_275 = arith.constant 0 : i32
    %sign3A_276 = arith.cmpi sgt, %jit3A_266, %sign3A_275 : i32
    %sign3A_277 = arith.extui %sign3A_276 : i1 to i32
    %sign3A_278 = arith.constant 0 : i32
    %sign3A_279 = arith.cmpi slt, %jit3A_266, %sign3A_278 : i32
    %sign3A_280 = arith.extui %sign3A_279 : i1 to i32
    %sign3A_281 = arith.subi %sign3A_277, %sign3A_280 : i32
    %ne3A_282 = arith.cmpi ne, %sign3A_274, %sign3A_281 : i32
    %rem3A_283 = arith.remsi %add3A_265, %jit3A_266 : i32
    %ne3A_284 = arith.constant 0 : i32
    %ne3A_285 = arith.cmpi ne, %rem3A_283, %ne3A_284 : i32
    %and3A_286 = arith.andi %ne3A_282, %ne3A_285 : i1
    %sub3A_287 = arith.constant 1 : i32
    %sub3A_288 = arith.subi %div3A_267, %sub3A_287 : i32
    %select_n3A_289 = arith.select %and3A_286, %sub3A_288, %div3A_267 : i32
    %jit3A_290 = arith.constant 16 : i32
    %eq3A_291 = arith.constant 0 : i32
    %eq3A_292 = arith.cmpi eq, %jit3A_290, %eq3A_291 : i32
    %jit3A_293 = arith.constant 1 : i32
    %select_n3A_294 = arith.select %eq3A_292, %jit3A_293, %jit3A_290 : i32
    %rem3A_295 = arith.remsi %add3A_265, %select_n3A_294 : i32
    %ne3A_296 = arith.constant 0 : i32
    %ne3A_297 = arith.cmpi ne, %rem3A_295, %ne3A_296 : i32
    %lt3A_298 = arith.constant 0 : i32
    %lt3A_299 = arith.cmpi slt, %rem3A_295, %lt3A_298 : i32
    %lt3A_300 = arith.constant 0 : i32
    %lt3A_301 = arith.cmpi slt, %select_n3A_294, %lt3A_300 : i32
    %ne3A_302 = arith.xori %lt3A_299, %lt3A_301 : i1
    %and3A_303 = arith.andi %ne3A_302, %ne3A_297 : i1
    %add3A_304 = arith.addi %rem3A_295, %select_n3A_294 : i32
    %select_n3A_305 = arith.select %and3A_303, %add3A_304, %rem3A_295 : i32
    %mul3A_306 = arith.constant 1024 : i32
    %mul3A_307 = arith.muli %select_n3A_305, %mul3A_306 : i32
    %dma_start3A_308 = arith.constant 5120 : i32
    %dma_start3A_309 = tpu.memref_slice %arg5[%dma_start3A_308] : memref<13312xi32, #tpu.memory_space<vmem>> -> memref<1024xi32, #tpu.memory_space<vmem>>
    %dma_start3A_310 = tpu.memref_slice %arg2[%select_n3A_289, %mul3A_307] : memref<26x16384xi32, #tpu.memory_space<hbm>> -> memref<1x1024xi32, #tpu.memory_space<hbm>>
    %dma_start3A_311 = tpu.memref_squeeze %dma_start3A_310 : memref<1x1024xi32, #tpu.memory_space<hbm>> -> memref<1024xi32, #tpu.memory_space<hbm>>
    %dma_start3A_312 = arith.constant 5120 : i32
    %dma_start3A_313 = tpu.memref_slice %arg5[%dma_start3A_312] : memref<13312xi32, #tpu.memory_space<vmem>> -> memref<1024xi32, #tpu.memory_space<vmem>>
    %dma_start3A_314 = tpu.memref_slice %arg2[%select_n3A_289, %mul3A_307] : memref<26x16384xi32, #tpu.memory_space<hbm>> -> memref<1x1024xi32, #tpu.memory_space<hbm>>
    %dma_start3A_315 = tpu.memref_squeeze %dma_start3A_314 : memref<1x1024xi32, #tpu.memory_space<hbm>> -> memref<1024xi32, #tpu.memory_space<hbm>>
    tpu.enqueue_dma source(%dma_start3A_315 : memref<1024xi32, #tpu.memory_space<hbm>>) target(%dma_start3A_313 : memref<1024xi32, #tpu.memory_space<vmem>>) target_semaphore(%arg6 : memref<!tpu.dma_semaphore, #tpu.memory_space<semaphore_mem>>)
    %mul3A_316 = arith.constant 13 : i32
    %mul3A_317 = arith.muli %add3A, %mul3A_316 : i32
    %add3A_318 = arith.constant 6 : i32
    %add3A_319 = arith.addi %mul3A_317, %add3A_318 : i32
    %jit3A_320 = arith.constant 16 : i32
    %div3A_321 = arith.divsi %add3A_319, %jit3A_320 : i32
    %sign3A_322 = arith.constant 0 : i32
    %sign3A_323 = arith.cmpi sgt, %add3A_319, %sign3A_322 : i32
    %sign3A_324 = arith.extui %sign3A_323 : i1 to i32
    %sign3A_325 = arith.constant 0 : i32
    %sign3A_326 = arith.cmpi slt, %add3A_319, %sign3A_325 : i32
    %sign3A_327 = arith.extui %sign3A_326 : i1 to i32
    %sign3A_328 = arith.subi %sign3A_324, %sign3A_327 : i32
    %sign3A_329 = arith.constant 0 : i32
    %sign3A_330 = arith.cmpi sgt, %jit3A_320, %sign3A_329 : i32
    %sign3A_331 = arith.extui %sign3A_330 : i1 to i32
    %sign3A_332 = arith.constant 0 : i32
    %sign3A_333 = arith.cmpi slt, %jit3A_320, %sign3A_332 : i32
    %sign3A_334 = arith.extui %sign3A_333 : i1 to i32
    %sign3A_335 = arith.subi %sign3A_331, %sign3A_334 : i32
    %ne3A_336 = arith.cmpi ne, %sign3A_328, %sign3A_335 : i32
    %rem3A_337 = arith.remsi %add3A_319, %jit3A_320 : i32
    %ne3A_338 = arith.constant 0 : i32
    %ne3A_339 = arith.cmpi ne, %rem3A_337, %ne3A_338 : i32
    %and3A_340 = arith.andi %ne3A_336, %ne3A_339 : i1
    %sub3A_341 = arith.constant 1 : i32
    %sub3A_342 = arith.subi %div3A_321, %sub3A_341 : i32
    %select_n3A_343 = arith.select %and3A_340, %sub3A_342, %div3A_321 : i32
    %jit3A_344 = arith.constant 16 : i32
    %eq3A_345 = arith.constant 0 : i32
    %eq3A_346 = arith.cmpi eq, %jit3A_344, %eq3A_345 : i32
    %jit3A_347 = arith.constant 1 : i32
    %select_n3A_348 = arith.select %eq3A_346, %jit3A_347, %jit3A_344 : i32
    %rem3A_349 = arith.remsi %add3A_319, %select_n3A_348 : i32
    %ne3A_350 = arith.constant 0 : i32
    %ne3A_351 = arith.cmpi ne, %rem3A_349, %ne3A_350 : i32
    %lt3A_352 = arith.constant 0 : i32
    %lt3A_353 = arith.cmpi slt, %rem3A_349, %lt3A_352 : i32
    %lt3A_354 = arith.constant 0 : i32
    %lt3A_355 = arith.cmpi slt, %select_n3A_348, %lt3A_354 : i32
    %ne3A_356 = arith.xori %lt3A_353, %lt3A_355 : i1
    %and3A_357 = arith.andi %ne3A_356, %ne3A_351 : i1
    %add3A_358 = arith.addi %rem3A_349, %select_n3A_348 : i32
    %select_n3A_359 = arith.select %and3A_357, %add3A_358, %rem3A_349 : i32
    %mul3A_360 = arith.constant 1024 : i32
    %mul3A_361 = arith.muli %select_n3A_359, %mul3A_360 : i32
    %dma_start3A_362 = arith.constant 6144 : i32
    %dma_start3A_363 = tpu.memref_slice %arg5[%dma_start3A_362] : memref<13312xi32, #tpu.memory_space<vmem>> -> memref<1024xi32, #tpu.memory_space<vmem>>
    %dma_start3A_364 = tpu.memref_slice %arg2[%select_n3A_343, %mul3A_361] : memref<26x16384xi32, #tpu.memory_space<hbm>> -> memref<1x1024xi32, #tpu.memory_space<hbm>>
    %dma_start3A_365 = tpu.memref_squeeze %dma_start3A_364 : memref<1x1024xi32, #tpu.memory_space<hbm>> -> memref<1024xi32, #tpu.memory_space<hbm>>
    %dma_start3A_366 = arith.constant 6144 : i32
    %dma_start3A_367 = tpu.memref_slice %arg5[%dma_start3A_366] : memref<13312xi32, #tpu.memory_space<vmem>> -> memref<1024xi32, #tpu.memory_space<vmem>>
    %dma_start3A_368 = tpu.memref_slice %arg2[%select_n3A_343, %mul3A_361] : memref<26x16384xi32, #tpu.memory_space<hbm>> -> memref<1x1024xi32, #tpu.memory_space<hbm>>
    %dma_start3A_369 = tpu.memref_squeeze %dma_start3A_368 : memref<1x1024xi32, #tpu.memory_space<hbm>> -> memref<1024xi32, #tpu.memory_space<hbm>>
    tpu.enqueue_dma source(%dma_start3A_369 : memref<1024xi32, #tpu.memory_space<hbm>>) target(%dma_start3A_367 : memref<1024xi32, #tpu.memory_space<vmem>>) target_semaphore(%arg6 : memref<!tpu.dma_semaphore, #tpu.memory_space<semaphore_mem>>)
    %mul3A_370 = arith.constant 13 : i32
    %mul3A_371 = arith.muli %add3A, %mul3A_370 : i32
    %add3A_372 = arith.constant 7 : i32
    %add3A_373 = arith.addi %mul3A_371, %add3A_372 : i32
    %jit3A_374 = arith.constant 16 : i32
    %div3A_375 = arith.divsi %add3A_373, %jit3A_374 : i32
    %sign3A_376 = arith.constant 0 : i32
    %sign3A_377 = arith.cmpi sgt, %add3A_373, %sign3A_376 : i32
    %sign3A_378 = arith.extui %sign3A_377 : i1 to i32
    %sign3A_379 = arith.constant 0 : i32
    %sign3A_380 = arith.cmpi slt, %add3A_373, %sign3A_379 : i32
    %sign3A_381 = arith.extui %sign3A_380 : i1 to i32
    %sign3A_382 = arith.subi %sign3A_378, %sign3A_381 : i32
    %sign3A_383 = arith.constant 0 : i32
    %sign3A_384 = arith.cmpi sgt, %jit3A_374, %sign3A_383 : i32
    %sign3A_385 = arith.extui %sign3A_384 : i1 to i32
    %sign3A_386 = arith.constant 0 : i32
    %sign3A_387 = arith.cmpi slt, %jit3A_374, %sign3A_386 : i32
    %sign3A_388 = arith.extui %sign3A_387 : i1 to i32
    %sign3A_389 = arith.subi %sign3A_385, %sign3A_388 : i32
    %ne3A_390 = arith.cmpi ne, %sign3A_382, %sign3A_389 : i32
    %rem3A_391 = arith.remsi %add3A_373, %jit3A_374 : i32
    %ne3A_392 = arith.constant 0 : i32
    %ne3A_393 = arith.cmpi ne, %rem3A_391, %ne3A_392 : i32
    %and3A_394 = arith.andi %ne3A_390, %ne3A_393 : i1
    %sub3A_395 = arith.constant 1 : i32
    %sub3A_396 = arith.subi %div3A_375, %sub3A_395 : i32
    %select_n3A_397 = arith.select %and3A_394, %sub3A_396, %div3A_375 : i32
    %jit3A_398 = arith.constant 16 : i32
    %eq3A_399 = arith.constant 0 : i32
    %eq3A_400 = arith.cmpi eq, %jit3A_398, %eq3A_399 : i32
    %jit3A_401 = arith.constant 1 : i32
    %select_n3A_402 = arith.select %eq3A_400, %jit3A_401, %jit3A_398 : i32
    %rem3A_403 = arith.remsi %add3A_373, %select_n3A_402 : i32
    %ne3A_404 = arith.constant 0 : i32
    %ne3A_405 = arith.cmpi ne, %rem3A_403, %ne3A_404 : i32
    %lt3A_406 = arith.constant 0 : i32
    %lt3A_407 = arith.cmpi slt, %rem3A_403, %lt3A_406 : i32
    %lt3A_408 = arith.constant 0 : i32
    %lt3A_409 = arith.cmpi slt, %select_n3A_402, %lt3A_408 : i32
    %ne3A_410 = arith.xori %lt3A_407, %lt3A_409 : i1
    %and3A_411 = arith.andi %ne3A_410, %ne3A_405 : i1
    %add3A_412 = arith.addi %rem3A_403, %select_n3A_402 : i32
    %select_n3A_413 = arith.select %and3A_411, %add3A_412, %rem3A_403 : i32
    %mul3A_414 = arith.constant 1024 : i32
    %mul3A_415 = arith.muli %select_n3A_413, %mul3A_414 : i32
    %dma_start3A_416 = arith.constant 7168 : i32
    %dma_start3A_417 = tpu.memref_slice %arg5[%dma_start3A_416] : memref<13312xi32, #tpu.memory_space<vmem>> -> memref<1024xi32, #tpu.memory_space<vmem>>
    %dma_start3A_418 = tpu.memref_slice %arg2[%select_n3A_397, %mul3A_415] : memref<26x16384xi32, #tpu.memory_space<hbm>> -> memref<1x1024xi32, #tpu.memory_space<hbm>>
    %dma_start3A_419 = tpu.memref_squeeze %dma_start3A_418 : memref<1x1024xi32, #tpu.memory_space<hbm>> -> memref<1024xi32, #tpu.memory_space<hbm>>
    %dma_start3A_420 = arith.constant 7168 : i32
    %dma_start3A_421 = tpu.memref_slice %arg5[%dma_start3A_420] : memref<13312xi32, #tpu.memory_space<vmem>> -> memref<1024xi32, #tpu.memory_space<vmem>>
    %dma_start3A_422 = tpu.memref_slice %arg2[%select_n3A_397, %mul3A_415] : memref<26x16384xi32, #tpu.memory_space<hbm>> -> memref<1x1024xi32, #tpu.memory_space<hbm>>
    %dma_start3A_423 = tpu.memref_squeeze %dma_start3A_422 : memref<1x1024xi32, #tpu.memory_space<hbm>> -> memref<1024xi32, #tpu.memory_space<hbm>>
    tpu.enqueue_dma source(%dma_start3A_423 : memref<1024xi32, #tpu.memory_space<hbm>>) target(%dma_start3A_421 : memref<1024xi32, #tpu.memory_space<vmem>>) target_semaphore(%arg6 : memref<!tpu.dma_semaphore, #tpu.memory_space<semaphore_mem>>)
    %mul3A_424 = arith.constant 13 : i32
    %mul3A_425 = arith.muli %add3A, %mul3A_424 : i32
    %add3A_426 = arith.constant 8 : i32
    %add3A_427 = arith.addi %mul3A_425, %add3A_426 : i32
    %jit3A_428 = arith.constant 16 : i32
    %div3A_429 = arith.divsi %add3A_427, %jit3A_428 : i32
    %sign3A_430 = arith.constant 0 : i32
    %sign3A_431 = arith.cmpi sgt, %add3A_427, %sign3A_430 : i32
    %sign3A_432 = arith.extui %sign3A_431 : i1 to i32
    %sign3A_433 = arith.constant 0 : i32
    %sign3A_434 = arith.cmpi slt, %add3A_427, %sign3A_433 : i32
    %sign3A_435 = arith.extui %sign3A_434 : i1 to i32
    %sign3A_436 = arith.subi %sign3A_432, %sign3A_435 : i32
    %sign3A_437 = arith.constant 0 : i32
    %sign3A_438 = arith.cmpi sgt, %jit3A_428, %sign3A_437 : i32
    %sign3A_439 = arith.extui %sign3A_438 : i1 to i32
    %sign3A_440 = arith.constant 0 : i32
    %sign3A_441 = arith.cmpi slt, %jit3A_428, %sign3A_440 : i32
    %sign3A_442 = arith.extui %sign3A_441 : i1 to i32
    %sign3A_443 = arith.subi %sign3A_439, %sign3A_442 : i32
    %ne3A_444 = arith.cmpi ne, %sign3A_436, %sign3A_443 : i32
    %rem3A_445 = arith.remsi %add3A_427, %jit3A_428 : i32
    %ne3A_446 = arith.constant 0 : i32
    %ne3A_447 = arith.cmpi ne, %rem3A_445, %ne3A_446 : i32
    %and3A_448 = arith.andi %ne3A_444, %ne3A_447 : i1
    %sub3A_449 = arith.constant 1 : i32
    %sub3A_450 = arith.subi %div3A_429, %sub3A_449 : i32
    %select_n3A_451 = arith.select %and3A_448, %sub3A_450, %div3A_429 : i32
    %jit3A_452 = arith.constant 16 : i32
    %eq3A_453 = arith.constant 0 : i32
    %eq3A_454 = arith.cmpi eq, %jit3A_452, %eq3A_453 : i32
    %jit3A_455 = arith.constant 1 : i32
    %select_n3A_456 = arith.select %eq3A_454, %jit3A_455, %jit3A_452 : i32
    %rem3A_457 = arith.remsi %add3A_427, %select_n3A_456 : i32
    %ne3A_458 = arith.constant 0 : i32
    %ne3A_459 = arith.cmpi ne, %rem3A_457, %ne3A_458 : i32
    %lt3A_460 = arith.constant 0 : i32
    %lt3A_461 = arith.cmpi slt, %rem3A_457, %lt3A_460 : i32
    %lt3A_462 = arith.constant 0 : i32
    %lt3A_463 = arith.cmpi slt, %select_n3A_456, %lt3A_462 : i32
    %ne3A_464 = arith.xori %lt3A_461, %lt3A_463 : i1
    %and3A_465 = arith.andi %ne3A_464, %ne3A_459 : i1
    %add3A_466 = arith.addi %rem3A_457, %select_n3A_456 : i32
    %select_n3A_467 = arith.select %and3A_465, %add3A_466, %rem3A_457 : i32
    %mul3A_468 = arith.constant 1024 : i32
    %mul3A_469 = arith.muli %select_n3A_467, %mul3A_468 : i32
    %dma_start3A_470 = arith.constant 8192 : i32
    %dma_start3A_471 = tpu.memref_slice %arg5[%dma_start3A_470] : memref<13312xi32, #tpu.memory_space<vmem>> -> memref<1024xi32, #tpu.memory_space<vmem>>
    %dma_start3A_472 = tpu.memref_slice %arg2[%select_n3A_451, %mul3A_469] : memref<26x16384xi32, #tpu.memory_space<hbm>> -> memref<1x1024xi32, #tpu.memory_space<hbm>>
    %dma_start3A_473 = tpu.memref_squeeze %dma_start3A_472 : memref<1x1024xi32, #tpu.memory_space<hbm>> -> memref<1024xi32, #tpu.memory_space<hbm>>
    %dma_start3A_474 = arith.constant 8192 : i32
    %dma_start3A_475 = tpu.memref_slice %arg5[%dma_start3A_474] : memref<13312xi32, #tpu.memory_space<vmem>> -> memref<1024xi32, #tpu.memory_space<vmem>>
    %dma_start3A_476 = tpu.memref_slice %arg2[%select_n3A_451, %mul3A_469] : memref<26x16384xi32, #tpu.memory_space<hbm>> -> memref<1x1024xi32, #tpu.memory_space<hbm>>
    %dma_start3A_477 = tpu.memref_squeeze %dma_start3A_476 : memref<1x1024xi32, #tpu.memory_space<hbm>> -> memref<1024xi32, #tpu.memory_space<hbm>>
    tpu.enqueue_dma source(%dma_start3A_477 : memref<1024xi32, #tpu.memory_space<hbm>>) target(%dma_start3A_475 : memref<1024xi32, #tpu.memory_space<vmem>>) target_semaphore(%arg6 : memref<!tpu.dma_semaphore, #tpu.memory_space<semaphore_mem>>)
    %mul3A_478 = arith.constant 13 : i32
    %mul3A_479 = arith.muli %add3A, %mul3A_478 : i32
    %add3A_480 = arith.constant 9 : i32
    %add3A_481 = arith.addi %mul3A_479, %add3A_480 : i32
    %jit3A_482 = arith.constant 16 : i32
    %div3A_483 = arith.divsi %add3A_481, %jit3A_482 : i32
    %sign3A_484 = arith.constant 0 : i32
    %sign3A_485 = arith.cmpi sgt, %add3A_481, %sign3A_484 : i32
    %sign3A_486 = arith.extui %sign3A_485 : i1 to i32
    %sign3A_487 = arith.constant 0 : i32
    %sign3A_488 = arith.cmpi slt, %add3A_481, %sign3A_487 : i32
    %sign3A_489 = arith.extui %sign3A_488 : i1 to i32
    %sign3A_490 = arith.subi %sign3A_486, %sign3A_489 : i32
    %sign3A_491 = arith.constant 0 : i32
    %sign3A_492 = arith.cmpi sgt, %jit3A_482, %sign3A_491 : i32
    %sign3A_493 = arith.extui %sign3A_492 : i1 to i32
    %sign3A_494 = arith.constant 0 : i32
    %sign3A_495 = arith.cmpi slt, %jit3A_482, %sign3A_494 : i32
    %sign3A_496 = arith.extui %sign3A_495 : i1 to i32
    %sign3A_497 = arith.subi %sign3A_493, %sign3A_496 : i32
    %ne3A_498 = arith.cmpi ne, %sign3A_490, %sign3A_497 : i32
    %rem3A_499 = arith.remsi %add3A_481, %jit3A_482 : i32
    %ne3A_500 = arith.constant 0 : i32
    %ne3A_501 = arith.cmpi ne, %rem3A_499, %ne3A_500 : i32
    %and3A_502 = arith.andi %ne3A_498, %ne3A_501 : i1
    %sub3A_503 = arith.constant 1 : i32
    %sub3A_504 = arith.subi %div3A_483, %sub3A_503 : i32
    %select_n3A_505 = arith.select %and3A_502, %sub3A_504, %div3A_483 : i32
    %jit3A_506 = arith.constant 16 : i32
    %eq3A_507 = arith.constant 0 : i32
    %eq3A_508 = arith.cmpi eq, %jit3A_506, %eq3A_507 : i32
    %jit3A_509 = arith.constant 1 : i32
    %select_n3A_510 = arith.select %eq3A_508, %jit3A_509, %jit3A_506 : i32
    %rem3A_511 = arith.remsi %add3A_481, %select_n3A_510 : i32
    %ne3A_512 = arith.constant 0 : i32
    %ne3A_513 = arith.cmpi ne, %rem3A_511, %ne3A_512 : i32
    %lt3A_514 = arith.constant 0 : i32
    %lt3A_515 = arith.cmpi slt, %rem3A_511, %lt3A_514 : i32
    %lt3A_516 = arith.constant 0 : i32
    %lt3A_517 = arith.cmpi slt, %select_n3A_510, %lt3A_516 : i32
    %ne3A_518 = arith.xori %lt3A_515, %lt3A_517 : i1
    %and3A_519 = arith.andi %ne3A_518, %ne3A_513 : i1
    %add3A_520 = arith.addi %rem3A_511, %select_n3A_510 : i32
    %select_n3A_521 = arith.select %and3A_519, %add3A_520, %rem3A_511 : i32
    %mul3A_522 = arith.constant 1024 : i32
    %mul3A_523 = arith.muli %select_n3A_521, %mul3A_522 : i32
    %dma_start3A_524 = arith.constant 9216 : i32
    %dma_start3A_525 = tpu.memref_slice %arg5[%dma_start3A_524] : memref<13312xi32, #tpu.memory_space<vmem>> -> memref<1024xi32, #tpu.memory_space<vmem>>
    %dma_start3A_526 = tpu.memref_slice %arg2[%select_n3A_505, %mul3A_523] : memref<26x16384xi32, #tpu.memory_space<hbm>> -> memref<1x1024xi32, #tpu.memory_space<hbm>>
    %dma_start3A_527 = tpu.memref_squeeze %dma_start3A_526 : memref<1x1024xi32, #tpu.memory_space<hbm>> -> memref<1024xi32, #tpu.memory_space<hbm>>
    %dma_start3A_528 = arith.constant 9216 : i32
    %dma_start3A_529 = tpu.memref_slice %arg5[%dma_start3A_528] : memref<13312xi32, #tpu.memory_space<vmem>> -> memref<1024xi32, #tpu.memory_space<vmem>>
    %dma_start3A_530 = tpu.memref_slice %arg2[%select_n3A_505, %mul3A_523] : memref<26x16384xi32, #tpu.memory_space<hbm>> -> memref<1x1024xi32, #tpu.memory_space<hbm>>
    %dma_start3A_531 = tpu.memref_squeeze %dma_start3A_530 : memref<1x1024xi32, #tpu.memory_space<hbm>> -> memref<1024xi32, #tpu.memory_space<hbm>>
    tpu.enqueue_dma source(%dma_start3A_531 : memref<1024xi32, #tpu.memory_space<hbm>>) target(%dma_start3A_529 : memref<1024xi32, #tpu.memory_space<vmem>>) target_semaphore(%arg6 : memref<!tpu.dma_semaphore, #tpu.memory_space<semaphore_mem>>)
    %mul3A_532 = arith.constant 13 : i32
    %mul3A_533 = arith.muli %add3A, %mul3A_532 : i32
    %add3A_534 = arith.constant 10 : i32
    %add3A_535 = arith.addi %mul3A_533, %add3A_534 : i32
    %jit3A_536 = arith.constant 16 : i32
    %div3A_537 = arith.divsi %add3A_535, %jit3A_536 : i32
    %sign3A_538 = arith.constant 0 : i32
    %sign3A_539 = arith.cmpi sgt, %add3A_535, %sign3A_538 : i32
    %sign3A_540 = arith.extui %sign3A_539 : i1 to i32
    %sign3A_541 = arith.constant 0 : i32
    %sign3A_542 = arith.cmpi slt, %add3A_535, %sign3A_541 : i32
    %sign3A_543 = arith.extui %sign3A_542 : i1 to i32
    %sign3A_544 = arith.subi %sign3A_540, %sign3A_543 : i32
    %sign3A_545 = arith.constant 0 : i32
    %sign3A_546 = arith.cmpi sgt, %jit3A_536, %sign3A_545 : i32
    %sign3A_547 = arith.extui %sign3A_546 : i1 to i32
    %sign3A_548 = arith.constant 0 : i32
    %sign3A_549 = arith.cmpi slt, %jit3A_536, %sign3A_548 : i32
    %sign3A_550 = arith.extui %sign3A_549 : i1 to i32
    %sign3A_551 = arith.subi %sign3A_547, %sign3A_550 : i32
    %ne3A_552 = arith.cmpi ne, %sign3A_544, %sign3A_551 : i32
    %rem3A_553 = arith.remsi %add3A_535, %jit3A_536 : i32
    %ne3A_554 = arith.constant 0 : i32
    %ne3A_555 = arith.cmpi ne, %rem3A_553, %ne3A_554 : i32
    %and3A_556 = arith.andi %ne3A_552, %ne3A_555 : i1
    %sub3A_557 = arith.constant 1 : i32
    %sub3A_558 = arith.subi %div3A_537, %sub3A_557 : i32
    %select_n3A_559 = arith.select %and3A_556, %sub3A_558, %div3A_537 : i32
    %jit3A_560 = arith.constant 16 : i32
    %eq3A_561 = arith.constant 0 : i32
    %eq3A_562 = arith.cmpi eq, %jit3A_560, %eq3A_561 : i32
    %jit3A_563 = arith.constant 1 : i32
    %select_n3A_564 = arith.select %eq3A_562, %jit3A_563, %jit3A_560 : i32
    %rem3A_565 = arith.remsi %add3A_535, %select_n3A_564 : i32
    %ne3A_566 = arith.constant 0 : i32
    %ne3A_567 = arith.cmpi ne, %rem3A_565, %ne3A_566 : i32
    %lt3A_568 = arith.constant 0 : i32
    %lt3A_569 = arith.cmpi slt, %rem3A_565, %lt3A_568 : i32
    %lt3A_570 = arith.constant 0 : i32
    %lt3A_571 = arith.cmpi slt, %select_n3A_564, %lt3A_570 : i32
    %ne3A_572 = arith.xori %lt3A_569, %lt3A_571 : i1
    %and3A_573 = arith.andi %ne3A_572, %ne3A_567 : i1
    %add3A_574 = arith.addi %rem3A_565, %select_n3A_564 : i32
    %select_n3A_575 = arith.select %and3A_573, %add3A_574, %rem3A_565 : i32
    %mul3A_576 = arith.constant 1024 : i32
    %mul3A_577 = arith.muli %select_n3A_575, %mul3A_576 : i32
    %dma_start3A_578 = arith.constant 10240 : i32
    %dma_start3A_579 = tpu.memref_slice %arg5[%dma_start3A_578] : memref<13312xi32, #tpu.memory_space<vmem>> -> memref<1024xi32, #tpu.memory_space<vmem>>
    %dma_start3A_580 = tpu.memref_slice %arg2[%select_n3A_559, %mul3A_577] : memref<26x16384xi32, #tpu.memory_space<hbm>> -> memref<1x1024xi32, #tpu.memory_space<hbm>>
    %dma_start3A_581 = tpu.memref_squeeze %dma_start3A_580 : memref<1x1024xi32, #tpu.memory_space<hbm>> -> memref<1024xi32, #tpu.memory_space<hbm>>
    %dma_start3A_582 = arith.constant 10240 : i32
    %dma_start3A_583 = tpu.memref_slice %arg5[%dma_start3A_582] : memref<13312xi32, #tpu.memory_space<vmem>> -> memref<1024xi32, #tpu.memory_space<vmem>>
    %dma_start3A_584 = tpu.memref_slice %arg2[%select_n3A_559, %mul3A_577] : memref<26x16384xi32, #tpu.memory_space<hbm>> -> memref<1x1024xi32, #tpu.memory_space<hbm>>
    %dma_start3A_585 = tpu.memref_squeeze %dma_start3A_584 : memref<1x1024xi32, #tpu.memory_space<hbm>> -> memref<1024xi32, #tpu.memory_space<hbm>>
    tpu.enqueue_dma source(%dma_start3A_585 : memref<1024xi32, #tpu.memory_space<hbm>>) target(%dma_start3A_583 : memref<1024xi32, #tpu.memory_space<vmem>>) target_semaphore(%arg6 : memref<!tpu.dma_semaphore, #tpu.memory_space<semaphore_mem>>)
    %mul3A_586 = arith.constant 13 : i32
    %mul3A_587 = arith.muli %add3A, %mul3A_586 : i32
    %add3A_588 = arith.constant 11 : i32
    %add3A_589 = arith.addi %mul3A_587, %add3A_588 : i32
    %jit3A_590 = arith.constant 16 : i32
    %div3A_591 = arith.divsi %add3A_589, %jit3A_590 : i32
    %sign3A_592 = arith.constant 0 : i32
    %sign3A_593 = arith.cmpi sgt, %add3A_589, %sign3A_592 : i32
    %sign3A_594 = arith.extui %sign3A_593 : i1 to i32
    %sign3A_595 = arith.constant 0 : i32
    %sign3A_596 = arith.cmpi slt, %add3A_589, %sign3A_595 : i32
    %sign3A_597 = arith.extui %sign3A_596 : i1 to i32
    %sign3A_598 = arith.subi %sign3A_594, %sign3A_597 : i32
    %sign3A_599 = arith.constant 0 : i32
    %sign3A_600 = arith.cmpi sgt, %jit3A_590, %sign3A_599 : i32
    %sign3A_601 = arith.extui %sign3A_600 : i1 to i32
    %sign3A_602 = arith.constant 0 : i32
    %sign3A_603 = arith.cmpi slt, %jit3A_590, %sign3A_602 : i32
    %sign3A_604 = arith.extui %sign3A_603 : i1 to i32
    %sign3A_605 = arith.subi %sign3A_601, %sign3A_604 : i32
    %ne3A_606 = arith.cmpi ne, %sign3A_598, %sign3A_605 : i32
    %rem3A_607 = arith.remsi %add3A_589, %jit3A_590 : i32
    %ne3A_608 = arith.constant 0 : i32
    %ne3A_609 = arith.cmpi ne, %rem3A_607, %ne3A_608 : i32
    %and3A_610 = arith.andi %ne3A_606, %ne3A_609 : i1
    %sub3A_611 = arith.constant 1 : i32
    %sub3A_612 = arith.subi %div3A_591, %sub3A_611 : i32
    %select_n3A_613 = arith.select %and3A_610, %sub3A_612, %div3A_591 : i32
    %jit3A_614 = arith.constant 16 : i32
    %eq3A_615 = arith.constant 0 : i32
    %eq3A_616 = arith.cmpi eq, %jit3A_614, %eq3A_615 : i32
    %jit3A_617 = arith.constant 1 : i32
    %select_n3A_618 = arith.select %eq3A_616, %jit3A_617, %jit3A_614 : i32
    %rem3A_619 = arith.remsi %add3A_589, %select_n3A_618 : i32
    %ne3A_620 = arith.constant 0 : i32
    %ne3A_621 = arith.cmpi ne, %rem3A_619, %ne3A_620 : i32
    %lt3A_622 = arith.constant 0 : i32
    %lt3A_623 = arith.cmpi slt, %rem3A_619, %lt3A_622 : i32
    %lt3A_624 = arith.constant 0 : i32
    %lt3A_625 = arith.cmpi slt, %select_n3A_618, %lt3A_624 : i32
    %ne3A_626 = arith.xori %lt3A_623, %lt3A_625 : i1
    %and3A_627 = arith.andi %ne3A_626, %ne3A_621 : i1
    %add3A_628 = arith.addi %rem3A_619, %select_n3A_618 : i32
    %select_n3A_629 = arith.select %and3A_627, %add3A_628, %rem3A_619 : i32
    %mul3A_630 = arith.constant 1024 : i32
    %mul3A_631 = arith.muli %select_n3A_629, %mul3A_630 : i32
    %dma_start3A_632 = arith.constant 11264 : i32
    %dma_start3A_633 = tpu.memref_slice %arg5[%dma_start3A_632] : memref<13312xi32, #tpu.memory_space<vmem>> -> memref<1024xi32, #tpu.memory_space<vmem>>
    %dma_start3A_634 = tpu.memref_slice %arg2[%select_n3A_613, %mul3A_631] : memref<26x16384xi32, #tpu.memory_space<hbm>> -> memref<1x1024xi32, #tpu.memory_space<hbm>>
    %dma_start3A_635 = tpu.memref_squeeze %dma_start3A_634 : memref<1x1024xi32, #tpu.memory_space<hbm>> -> memref<1024xi32, #tpu.memory_space<hbm>>
    %dma_start3A_636 = arith.constant 11264 : i32
    %dma_start3A_637 = tpu.memref_slice %arg5[%dma_start3A_636] : memref<13312xi32, #tpu.memory_space<vmem>> -> memref<1024xi32, #tpu.memory_space<vmem>>
    %dma_start3A_638 = tpu.memref_slice %arg2[%select_n3A_613, %mul3A_631] : memref<26x16384xi32, #tpu.memory_space<hbm>> -> memref<1x1024xi32, #tpu.memory_space<hbm>>
    %dma_start3A_639 = tpu.memref_squeeze %dma_start3A_638 : memref<1x1024xi32, #tpu.memory_space<hbm>> -> memref<1024xi32, #tpu.memory_space<hbm>>
    tpu.enqueue_dma source(%dma_start3A_639 : memref<1024xi32, #tpu.memory_space<hbm>>) target(%dma_start3A_637 : memref<1024xi32, #tpu.memory_space<vmem>>) target_semaphore(%arg6 : memref<!tpu.dma_semaphore, #tpu.memory_space<semaphore_mem>>)
    %mul3A_640 = arith.constant 13 : i32
    %mul3A_641 = arith.muli %add3A, %mul3A_640 : i32
    %add3A_642 = arith.constant 12 : i32
    %add3A_643 = arith.addi %mul3A_641, %add3A_642 : i32
    %jit3A_644 = arith.constant 16 : i32
    %div3A_645 = arith.divsi %add3A_643, %jit3A_644 : i32
    %sign3A_646 = arith.constant 0 : i32
    %sign3A_647 = arith.cmpi sgt, %add3A_643, %sign3A_646 : i32
    %sign3A_648 = arith.extui %sign3A_647 : i1 to i32
    %sign3A_649 = arith.constant 0 : i32
    %sign3A_650 = arith.cmpi slt, %add3A_643, %sign3A_649 : i32
    %sign3A_651 = arith.extui %sign3A_650 : i1 to i32
    %sign3A_652 = arith.subi %sign3A_648, %sign3A_651 : i32
    %sign3A_653 = arith.constant 0 : i32
    %sign3A_654 = arith.cmpi sgt, %jit3A_644, %sign3A_653 : i32
    %sign3A_655 = arith.extui %sign3A_654 : i1 to i32
    %sign3A_656 = arith.constant 0 : i32
    %sign3A_657 = arith.cmpi slt, %jit3A_644, %sign3A_656 : i32
    %sign3A_658 = arith.extui %sign3A_657 : i1 to i32
    %sign3A_659 = arith.subi %sign3A_655, %sign3A_658 : i32
    %ne3A_660 = arith.cmpi ne, %sign3A_652, %sign3A_659 : i32
    %rem3A_661 = arith.remsi %add3A_643, %jit3A_644 : i32
    %ne3A_662 = arith.constant 0 : i32
    %ne3A_663 = arith.cmpi ne, %rem3A_661, %ne3A_662 : i32
    %and3A_664 = arith.andi %ne3A_660, %ne3A_663 : i1
    %sub3A_665 = arith.constant 1 : i32
    %sub3A_666 = arith.subi %div3A_645, %sub3A_665 : i32
    %select_n3A_667 = arith.select %and3A_664, %sub3A_666, %div3A_645 : i32
    %jit3A_668 = arith.constant 16 : i32
    %eq3A_669 = arith.constant 0 : i32
    %eq3A_670 = arith.cmpi eq, %jit3A_668, %eq3A_669 : i32
    %jit3A_671 = arith.constant 1 : i32
    %select_n3A_672 = arith.select %eq3A_670, %jit3A_671, %jit3A_668 : i32
    %rem3A_673 = arith.remsi %add3A_643, %select_n3A_672 : i32
    %ne3A_674 = arith.constant 0 : i32
    %ne3A_675 = arith.cmpi ne, %rem3A_673, %ne3A_674 : i32
    %lt3A_676 = arith.constant 0 : i32
    %lt3A_677 = arith.cmpi slt, %rem3A_673, %lt3A_676 : i32
    %lt3A_678 = arith.constant 0 : i32
    %lt3A_679 = arith.cmpi slt, %select_n3A_672, %lt3A_678 : i32
    %ne3A_680 = arith.xori %lt3A_677, %lt3A_679 : i1
    %and3A_681 = arith.andi %ne3A_680, %ne3A_675 : i1
    %add3A_682 = arith.addi %rem3A_673, %select_n3A_672 : i32
    %select_n3A_683 = arith.select %and3A_681, %add3A_682, %rem3A_673 : i32
    %mul3A_684 = arith.constant 1024 : i32
    %mul3A_685 = arith.muli %select_n3A_683, %mul3A_684 : i32
    %dma_start3A_686 = arith.constant 12288 : i32
    %dma_start3A_687 = tpu.memref_slice %arg5[%dma_start3A_686] : memref<13312xi32, #tpu.memory_space<vmem>> -> memref<1024xi32, #tpu.memory_space<vmem>>
    %dma_start3A_688 = tpu.memref_slice %arg2[%select_n3A_667, %mul3A_685] : memref<26x16384xi32, #tpu.memory_space<hbm>> -> memref<1x1024xi32, #tpu.memory_space<hbm>>
    %dma_start3A_689 = tpu.memref_squeeze %dma_start3A_688 : memref<1x1024xi32, #tpu.memory_space<hbm>> -> memref<1024xi32, #tpu.memory_space<hbm>>
    %dma_start3A_690 = arith.constant 12288 : i32
    %dma_start3A_691 = tpu.memref_slice %arg5[%dma_start3A_690] : memref<13312xi32, #tpu.memory_space<vmem>> -> memref<1024xi32, #tpu.memory_space<vmem>>
    %dma_start3A_692 = tpu.memref_slice %arg2[%select_n3A_667, %mul3A_685] : memref<26x16384xi32, #tpu.memory_space<hbm>> -> memref<1x1024xi32, #tpu.memory_space<hbm>>
    %dma_start3A_693 = tpu.memref_squeeze %dma_start3A_692 : memref<1x1024xi32, #tpu.memory_space<hbm>> -> memref<1024xi32, #tpu.memory_space<hbm>>
    tpu.enqueue_dma source(%dma_start3A_693 : memref<1024xi32, #tpu.memory_space<hbm>>) target(%dma_start3A_691 : memref<1024xi32, #tpu.memory_space<vmem>>) target_semaphore(%arg6 : memref<!tpu.dma_semaphore, #tpu.memory_space<semaphore_mem>>)
    %dma_wait3A = arith.constant 0 : i32
    %dma_wait3A_694 = arith.constant 0 : i32
    %dma_wait3A_695 = tpu.memref_slice %arg5[%dma_wait3A_694] : memref<13312xi32, #tpu.memory_space<vmem>> -> memref<1024xi32, #tpu.memory_space<vmem>>
    %dma_wait3A_696 = arith.constant 0 : i32
    %dma_wait3A_697 = tpu.memref_slice %arg2[%dma_wait3A, %dma_wait3A_696] : memref<26x16384xi32, #tpu.memory_space<hbm>> -> memref<1x1024xi32, #tpu.memory_space<hbm>>
    %dma_wait3A_698 = tpu.memref_squeeze %dma_wait3A_697 : memref<1x1024xi32, #tpu.memory_space<hbm>> -> memref<1024xi32, #tpu.memory_space<hbm>>
    %dma_wait3A_699 = arith.constant 0 : i32
    %dma_wait3A_700 = tpu.memref_slice %arg5[%dma_wait3A_699] : memref<13312xi32, #tpu.memory_space<vmem>> -> memref<1024xi32, #tpu.memory_space<vmem>>
    %dma_wait3A_701 = arith.constant 0 : i32
    %dma_wait3A_702 = tpu.memref_slice %arg2[%dma_wait3A, %dma_wait3A_701] : memref<26x16384xi32, #tpu.memory_space<hbm>> -> memref<1x1024xi32, #tpu.memory_space<hbm>>
    %dma_wait3A_703 = tpu.memref_squeeze %dma_wait3A_702 : memref<1x1024xi32, #tpu.memory_space<hbm>> -> memref<1024xi32, #tpu.memory_space<hbm>>
    tpu.wait_dma2 semaphore(%arg6 : memref<!tpu.dma_semaphore, #tpu.memory_space<semaphore_mem>>) src(%dma_wait3A_703 : memref<1024xi32, #tpu.memory_space<hbm>>) dst(%dma_wait3A_700 : memref<1024xi32, #tpu.memory_space<vmem>>)
    %dma_wait3A_704 = arith.constant 0 : i32
    %dma_wait3A_705 = arith.constant 0 : i32
    %dma_wait3A_706 = tpu.memref_slice %arg5[%dma_wait3A_705] : memref<13312xi32, #tpu.memory_space<vmem>> -> memref<1024xi32, #tpu.memory_space<vmem>>
    %dma_wait3A_707 = arith.constant 0 : i32
    %dma_wait3A_708 = tpu.memref_slice %arg2[%dma_wait3A_704, %dma_wait3A_707] : memref<26x16384xi32, #tpu.memory_space<hbm>> -> memref<1x1024xi32, #tpu.memory_space<hbm>>
    %dma_wait3A_709 = tpu.memref_squeeze %dma_wait3A_708 : memref<1x1024xi32, #tpu.memory_space<hbm>> -> memref<1024xi32, #tpu.memory_space<hbm>>
    %dma_wait3A_710 = arith.constant 0 : i32
    %dma_wait3A_711 = tpu.memref_slice %arg5[%dma_wait3A_710] : memref<13312xi32, #tpu.memory_space<vmem>> -> memref<1024xi32, #tpu.memory_space<vmem>>
    %dma_wait3A_712 = arith.constant 0 : i32
    %dma_wait3A_713 = tpu.memref_slice %arg2[%dma_wait3A_704, %dma_wait3A_712] : memref<26x16384xi32, #tpu.memory_space<hbm>> -> memref<1x1024xi32, #tpu.memory_space<hbm>>
    %dma_wait3A_714 = tpu.memref_squeeze %dma_wait3A_713 : memref<1x1024xi32, #tpu.memory_space<hbm>> -> memref<1024xi32, #tpu.memory_space<hbm>>
    tpu.wait_dma2 semaphore(%arg6 : memref<!tpu.dma_semaphore, #tpu.memory_space<semaphore_mem>>) src(%dma_wait3A_714 : memref<1024xi32, #tpu.memory_space<hbm>>) dst(%dma_wait3A_711 : memref<1024xi32, #tpu.memory_space<vmem>>)
    %dma_wait3A_715 = arith.constant 0 : i32
    %dma_wait3A_716 = arith.constant 0 : i32
    %dma_wait3A_717 = tpu.memref_slice %arg5[%dma_wait3A_716] : memref<13312xi32, #tpu.memory_space<vmem>> -> memref<1024xi32, #tpu.memory_space<vmem>>
    %dma_wait3A_718 = arith.constant 0 : i32
    %dma_wait3A_719 = tpu.memref_slice %arg2[%dma_wait3A_715, %dma_wait3A_718] : memref<26x16384xi32, #tpu.memory_space<hbm>> -> memref<1x1024xi32, #tpu.memory_space<hbm>>
    %dma_wait3A_720 = tpu.memref_squeeze %dma_wait3A_719 : memref<1x1024xi32, #tpu.memory_space<hbm>> -> memref<1024xi32, #tpu.memory_space<hbm>>
    %dma_wait3A_721 = arith.constant 0 : i32
    %dma_wait3A_722 = tpu.memref_slice %arg5[%dma_wait3A_721] : memref<13312xi32, #tpu.memory_space<vmem>> -> memref<1024xi32, #tpu.memory_space<vmem>>
    %dma_wait3A_723 = arith.constant 0 : i32
    %dma_wait3A_724 = tpu.memref_slice %arg2[%dma_wait3A_715, %dma_wait3A_723] : memref<26x16384xi32, #tpu.memory_space<hbm>> -> memref<1x1024xi32, #tpu.memory_space<hbm>>
    %dma_wait3A_725 = tpu.memref_squeeze %dma_wait3A_724 : memref<1x1024xi32, #tpu.memory_space<hbm>> -> memref<1024xi32, #tpu.memory_space<hbm>>
    tpu.wait_dma2 semaphore(%arg6 : memref<!tpu.dma_semaphore, #tpu.memory_space<semaphore_mem>>) src(%dma_wait3A_725 : memref<1024xi32, #tpu.memory_space<hbm>>) dst(%dma_wait3A_722 : memref<1024xi32, #tpu.memory_space<vmem>>)
    %dma_wait3A_726 = arith.constant 0 : i32
    %dma_wait3A_727 = arith.constant 0 : i32
    %dma_wait3A_728 = tpu.memref_slice %arg5[%dma_wait3A_727] : memref<13312xi32, #tpu.memory_space<vmem>> -> memref<1024xi32, #tpu.memory_space<vmem>>
    %dma_wait3A_729 = arith.constant 0 : i32
    %dma_wait3A_730 = tpu.memref_slice %arg2[%dma_wait3A_726, %dma_wait3A_729] : memref<26x16384xi32, #tpu.memory_space<hbm>> -> memref<1x1024xi32, #tpu.memory_space<hbm>>
    %dma_wait3A_731 = tpu.memref_squeeze %dma_wait3A_730 : memref<1x1024xi32, #tpu.memory_space<hbm>> -> memref<1024xi32, #tpu.memory_space<hbm>>
    %dma_wait3A_732 = arith.constant 0 : i32
    %dma_wait3A_733 = tpu.memref_slice %arg5[%dma_wait3A_732] : memref<13312xi32, #tpu.memory_space<vmem>> -> memref<1024xi32, #tpu.memory_space<vmem>>
    %dma_wait3A_734 = arith.constant 0 : i32
    %dma_wait3A_735 = tpu.memref_slice %arg2[%dma_wait3A_726, %dma_wait3A_734] : memref<26x16384xi32, #tpu.memory_space<hbm>> -> memref<1x1024xi32, #tpu.memory_space<hbm>>
    %dma_wait3A_736 = tpu.memref_squeeze %dma_wait3A_735 : memref<1x1024xi32, #tpu.memory_space<hbm>> -> memref<1024xi32, #tpu.memory_space<hbm>>
    tpu.wait_dma2 semaphore(%arg6 : memref<!tpu.dma_semaphore, #tpu.memory_space<semaphore_mem>>) src(%dma_wait3A_736 : memref<1024xi32, #tpu.memory_space<hbm>>) dst(%dma_wait3A_733 : memref<1024xi32, #tpu.memory_space<vmem>>)
    %dma_wait3A_737 = arith.constant 0 : i32
    %dma_wait3A_738 = arith.constant 0 : i32
    %dma_wait3A_739 = tpu.memref_slice %arg5[%dma_wait3A_738] : memref<13312xi32, #tpu.memory_space<vmem>> -> memref<1024xi32, #tpu.memory_space<vmem>>
    %dma_wait3A_740 = arith.constant 0 : i32
    %dma_wait3A_741 = tpu.memref_slice %arg2[%dma_wait3A_737, %dma_wait3A_740] : memref<26x16384xi32, #tpu.memory_space<hbm>> -> memref<1x1024xi32, #tpu.memory_space<hbm>>
    %dma_wait3A_742 = tpu.memref_squeeze %dma_wait3A_741 : memref<1x1024xi32, #tpu.memory_space<hbm>> -> memref<1024xi32, #tpu.memory_space<hbm>>
    %dma_wait3A_743 = arith.constant 0 : i32
    %dma_wait3A_744 = tpu.memref_slice %arg5[%dma_wait3A_743] : memref<13312xi32, #tpu.memory_space<vmem>> -> memref<1024xi32, #tpu.memory_space<vmem>>
    %dma_wait3A_745 = arith.constant 0 : i32
    %dma_wait3A_746 = tpu.memref_slice %arg2[%dma_wait3A_737, %dma_wait3A_745] : memref<26x16384xi32, #tpu.memory_space<hbm>> -> memref<1x1024xi32, #tpu.memory_space<hbm>>
    %dma_wait3A_747 = tpu.memref_squeeze %dma_wait3A_746 : memref<1x1024xi32, #tpu.memory_space<hbm>> -> memref<1024xi32, #tpu.memory_space<hbm>>
    tpu.wait_dma2 semaphore(%arg6 : memref<!tpu.dma_semaphore, #tpu.memory_space<semaphore_mem>>) src(%dma_wait3A_747 : memref<1024xi32, #tpu.memory_space<hbm>>) dst(%dma_wait3A_744 : memref<1024xi32, #tpu.memory_space<vmem>>)
    %dma_wait3A_748 = arith.constant 0 : i32
    %dma_wait3A_749 = arith.constant 0 : i32
    %dma_wait3A_750 = tpu.memref_slice %arg5[%dma_wait3A_749] : memref<13312xi32, #tpu.memory_space<vmem>> -> memref<1024xi32, #tpu.memory_space<vmem>>
    %dma_wait3A_751 = arith.constant 0 : i32
    %dma_wait3A_752 = tpu.memref_slice %arg2[%dma_wait3A_748, %dma_wait3A_751] : memref<26x16384xi32, #tpu.memory_space<hbm>> -> memref<1x1024xi32, #tpu.memory_space<hbm>>
    %dma_wait3A_753 = tpu.memref_squeeze %dma_wait3A_752 : memref<1x1024xi32, #tpu.memory_space<hbm>> -> memref<1024xi32, #tpu.memory_space<hbm>>
    %dma_wait3A_754 = arith.constant 0 : i32
    %dma_wait3A_755 = tpu.memref_slice %arg5[%dma_wait3A_754] : memref<13312xi32, #tpu.memory_space<vmem>> -> memref<1024xi32, #tpu.memory_space<vmem>>
    %dma_wait3A_756 = arith.constant 0 : i32
    %dma_wait3A_757 = tpu.memref_slice %arg2[%dma_wait3A_748, %dma_wait3A_756] : memref<26x16384xi32, #tpu.memory_space<hbm>> -> memref<1x1024xi32, #tpu.memory_space<hbm>>
    %dma_wait3A_758 = tpu.memref_squeeze %dma_wait3A_757 : memref<1x1024xi32, #tpu.memory_space<hbm>> -> memref<1024xi32, #tpu.memory_space<hbm>>
    tpu.wait_dma2 semaphore(%arg6 : memref<!tpu.dma_semaphore, #tpu.memory_space<semaphore_mem>>) src(%dma_wait3A_758 : memref<1024xi32, #tpu.memory_space<hbm>>) dst(%dma_wait3A_755 : memref<1024xi32, #tpu.memory_space<vmem>>)
    %dma_wait3A_759 = arith.constant 0 : i32
    %dma_wait3A_760 = arith.constant 0 : i32
    %dma_wait3A_761 = tpu.memref_slice %arg5[%dma_wait3A_760] : memref<13312xi32, #tpu.memory_space<vmem>> -> memref<1024xi32, #tpu.memory_space<vmem>>
    %dma_wait3A_762 = arith.constant 0 : i32
    %dma_wait3A_763 = tpu.memref_slice %arg2[%dma_wait3A_759, %dma_wait3A_762] : memref<26x16384xi32, #tpu.memory_space<hbm>> -> memref<1x1024xi32, #tpu.memory_space<hbm>>
    %dma_wait3A_764 = tpu.memref_squeeze %dma_wait3A_763 : memref<1x1024xi32, #tpu.memory_space<hbm>> -> memref<1024xi32, #tpu.memory_space<hbm>>
    %dma_wait3A_765 = arith.constant 0 : i32
    %dma_wait3A_766 = tpu.memref_slice %arg5[%dma_wait3A_765] : memref<13312xi32, #tpu.memory_space<vmem>> -> memref<1024xi32, #tpu.memory_space<vmem>>
    %dma_wait3A_767 = arith.constant 0 : i32
    %dma_wait3A_768 = tpu.memref_slice %arg2[%dma_wait3A_759, %dma_wait3A_767] : memref<26x16384xi32, #tpu.memory_space<hbm>> -> memref<1x1024xi32, #tpu.memory_space<hbm>>
    %dma_wait3A_769 = tpu.memref_squeeze %dma_wait3A_768 : memref<1x1024xi32, #tpu.memory_space<hbm>> -> memref<1024xi32, #tpu.memory_space<hbm>>
    tpu.wait_dma2 semaphore(%arg6 : memref<!tpu.dma_semaphore, #tpu.memory_space<semaphore_mem>>) src(%dma_wait3A_769 : memref<1024xi32, #tpu.memory_space<hbm>>) dst(%dma_wait3A_766 : memref<1024xi32, #tpu.memory_space<vmem>>)
    %dma_wait3A_770 = arith.constant 0 : i32
    %dma_wait3A_771 = arith.constant 0 : i32
    %dma_wait3A_772 = tpu.memref_slice %arg5[%dma_wait3A_771] : memref<13312xi32, #tpu.memory_space<vmem>> -> memref<1024xi32, #tpu.memory_space<vmem>>
    %dma_wait3A_773 = arith.constant 0 : i32
    %dma_wait3A_774 = tpu.memref_slice %arg2[%dma_wait3A_770, %dma_wait3A_773] : memref<26x16384xi32, #tpu.memory_space<hbm>> -> memref<1x1024xi32, #tpu.memory_space<hbm>>
    %dma_wait3A_775 = tpu.memref_squeeze %dma_wait3A_774 : memref<1x1024xi32, #tpu.memory_space<hbm>> -> memref<1024xi32, #tpu.memory_space<hbm>>
    %dma_wait3A_776 = arith.constant 0 : i32
    %dma_wait3A_777 = tpu.memref_slice %arg5[%dma_wait3A_776] : memref<13312xi32, #tpu.memory_space<vmem>> -> memref<1024xi32, #tpu.memory_space<vmem>>
    %dma_wait3A_778 = arith.constant 0 : i32
    %dma_wait3A_779 = tpu.memref_slice %arg2[%dma_wait3A_770, %dma_wait3A_778] : memref<26x16384xi32, #tpu.memory_space<hbm>> -> memref<1x1024xi32, #tpu.memory_space<hbm>>
    %dma_wait3A_780 = tpu.memref_squeeze %dma_wait3A_779 : memref<1x1024xi32, #tpu.memory_space<hbm>> -> memref<1024xi32, #tpu.memory_space<hbm>>
    tpu.wait_dma2 semaphore(%arg6 : memref<!tpu.dma_semaphore, #tpu.memory_space<semaphore_mem>>) src(%dma_wait3A_780 : memref<1024xi32, #tpu.memory_space<hbm>>) dst(%dma_wait3A_777 : memref<1024xi32, #tpu.memory_space<vmem>>)
    %dma_wait3A_781 = arith.constant 0 : i32
    %dma_wait3A_782 = arith.constant 0 : i32
    %dma_wait3A_783 = tpu.memref_slice %arg5[%dma_wait3A_782] : memref<13312xi32, #tpu.memory_space<vmem>> -> memref<1024xi32, #tpu.memory_space<vmem>>
    %dma_wait3A_784 = arith.constant 0 : i32
    %dma_wait3A_785 = tpu.memref_slice %arg2[%dma_wait3A_781, %dma_wait3A_784] : memref<26x16384xi32, #tpu.memory_space<hbm>> -> memref<1x1024xi32, #tpu.memory_space<hbm>>
    %dma_wait3A_786 = tpu.memref_squeeze %dma_wait3A_785 : memref<1x1024xi32, #tpu.memory_space<hbm>> -> memref<1024xi32, #tpu.memory_space<hbm>>
    %dma_wait3A_787 = arith.constant 0 : i32
    %dma_wait3A_788 = tpu.memref_slice %arg5[%dma_wait3A_787] : memref<13312xi32, #tpu.memory_space<vmem>> -> memref<1024xi32, #tpu.memory_space<vmem>>
    %dma_wait3A_789 = arith.constant 0 : i32
    %dma_wait3A_790 = tpu.memref_slice %arg2[%dma_wait3A_781, %dma_wait3A_789] : memref<26x16384xi32, #tpu.memory_space<hbm>> -> memref<1x1024xi32, #tpu.memory_space<hbm>>
    %dma_wait3A_791 = tpu.memref_squeeze %dma_wait3A_790 : memref<1x1024xi32, #tpu.memory_space<hbm>> -> memref<1024xi32, #tpu.memory_space<hbm>>
    tpu.wait_dma2 semaphore(%arg6 : memref<!tpu.dma_semaphore, #tpu.memory_space<semaphore_mem>>) src(%dma_wait3A_791 : memref<1024xi32, #tpu.memory_space<hbm>>) dst(%dma_wait3A_788 : memref<1024xi32, #tpu.memory_space<vmem>>)
    %dma_wait3A_792 = arith.constant 0 : i32
    %dma_wait3A_793 = arith.constant 0 : i32
    %dma_wait3A_794 = tpu.memref_slice %arg5[%dma_wait3A_793] : memref<13312xi32, #tpu.memory_space<vmem>> -> memref<1024xi32, #tpu.memory_space<vmem>>
    %dma_wait3A_795 = arith.constant 0 : i32
    %dma_wait3A_796 = tpu.memref_slice %arg2[%dma_wait3A_792, %dma_wait3A_795] : memref<26x16384xi32, #tpu.memory_space<hbm>> -> memref<1x1024xi32, #tpu.memory_space<hbm>>
    %dma_wait3A_797 = tpu.memref_squeeze %dma_wait3A_796 : memref<1x1024xi32, #tpu.memory_space<hbm>> -> memref<1024xi32, #tpu.memory_space<hbm>>
    %dma_wait3A_798 = arith.constant 0 : i32
    %dma_wait3A_799 = tpu.memref_slice %arg5[%dma_wait3A_798] : memref<13312xi32, #tpu.memory_space<vmem>> -> memref<1024xi32, #tpu.memory_space<vmem>>
    %dma_wait3A_800 = arith.constant 0 : i32
    %dma_wait3A_801 = tpu.memref_slice %arg2[%dma_wait3A_792, %dma_wait3A_800] : memref<26x16384xi32, #tpu.memory_space<hbm>> -> memref<1x1024xi32, #tpu.memory_space<hbm>>
    %dma_wait3A_802 = tpu.memref_squeeze %dma_wait3A_801 : memref<1x1024xi32, #tpu.memory_space<hbm>> -> memref<1024xi32, #tpu.memory_space<hbm>>
    tpu.wait_dma2 semaphore(%arg6 : memref<!tpu.dma_semaphore, #tpu.memory_space<semaphore_mem>>) src(%dma_wait3A_802 : memref<1024xi32, #tpu.memory_space<hbm>>) dst(%dma_wait3A_799 : memref<1024xi32, #tpu.memory_space<vmem>>)
    %dma_wait3A_803 = arith.constant 0 : i32
    %dma_wait3A_804 = arith.constant 0 : i32
    %dma_wait3A_805 = tpu.memref_slice %arg5[%dma_wait3A_804] : memref<13312xi32, #tpu.memory_space<vmem>> -> memref<1024xi32, #tpu.memory_space<vmem>>
    %dma_wait3A_806 = arith.constant 0 : i32
    %dma_wait3A_807 = tpu.memref_slice %arg2[%dma_wait3A_803, %dma_wait3A_806] : memref<26x16384xi32, #tpu.memory_space<hbm>> -> memref<1x1024xi32, #tpu.memory_space<hbm>>
    %dma_wait3A_808 = tpu.memref_squeeze %dma_wait3A_807 : memref<1x1024xi32, #tpu.memory_space<hbm>> -> memref<1024xi32, #tpu.memory_space<hbm>>
    %dma_wait3A_809 = arith.constant 0 : i32
    %dma_wait3A_810 = tpu.memref_slice %arg5[%dma_wait3A_809] : memref<13312xi32, #tpu.memory_space<vmem>> -> memref<1024xi32, #tpu.memory_space<vmem>>
    %dma_wait3A_811 = arith.constant 0 : i32
    %dma_wait3A_812 = tpu.memref_slice %arg2[%dma_wait3A_803, %dma_wait3A_811] : memref<26x16384xi32, #tpu.memory_space<hbm>> -> memref<1x1024xi32, #tpu.memory_space<hbm>>
    %dma_wait3A_813 = tpu.memref_squeeze %dma_wait3A_812 : memref<1x1024xi32, #tpu.memory_space<hbm>> -> memref<1024xi32, #tpu.memory_space<hbm>>
    tpu.wait_dma2 semaphore(%arg6 : memref<!tpu.dma_semaphore, #tpu.memory_space<semaphore_mem>>) src(%dma_wait3A_813 : memref<1024xi32, #tpu.memory_space<hbm>>) dst(%dma_wait3A_810 : memref<1024xi32, #tpu.memory_space<vmem>>)
    %dma_wait3A_814 = arith.constant 0 : i32
    %dma_wait3A_815 = arith.constant 0 : i32
    %dma_wait3A_816 = tpu.memref_slice %arg5[%dma_wait3A_815] : memref<13312xi32, #tpu.memory_space<vmem>> -> memref<1024xi32, #tpu.memory_space<vmem>>
    %dma_wait3A_817 = arith.constant 0 : i32
    %dma_wait3A_818 = tpu.memref_slice %arg2[%dma_wait3A_814, %dma_wait3A_817] : memref<26x16384xi32, #tpu.memory_space<hbm>> -> memref<1x1024xi32, #tpu.memory_space<hbm>>
    %dma_wait3A_819 = tpu.memref_squeeze %dma_wait3A_818 : memref<1x1024xi32, #tpu.memory_space<hbm>> -> memref<1024xi32, #tpu.memory_space<hbm>>
    %dma_wait3A_820 = arith.constant 0 : i32
    %dma_wait3A_821 = tpu.memref_slice %arg5[%dma_wait3A_820] : memref<13312xi32, #tpu.memory_space<vmem>> -> memref<1024xi32, #tpu.memory_space<vmem>>
    %dma_wait3A_822 = arith.constant 0 : i32
    %dma_wait3A_823 = tpu.memref_slice %arg2[%dma_wait3A_814, %dma_wait3A_822] : memref<26x16384xi32, #tpu.memory_space<hbm>> -> memref<1x1024xi32, #tpu.memory_space<hbm>>
    %dma_wait3A_824 = tpu.memref_squeeze %dma_wait3A_823 : memref<1x1024xi32, #tpu.memory_space<hbm>> -> memref<1024xi32, #tpu.memory_space<hbm>>
    tpu.wait_dma2 semaphore(%arg6 : memref<!tpu.dma_semaphore, #tpu.memory_space<semaphore_mem>>) src(%dma_wait3A_824 : memref<1024xi32, #tpu.memory_space<hbm>>) dst(%dma_wait3A_821 : memref<1024xi32, #tpu.memory_space<vmem>>)
    %dma_wait3A_825 = arith.constant 0 : i32
    %dma_wait3A_826 = arith.constant 0 : i32
    %dma_wait3A_827 = tpu.memref_slice %arg5[%dma_wait3A_826] : memref<13312xi32, #tpu.memory_space<vmem>> -> memref<1024xi32, #tpu.memory_space<vmem>>
    %dma_wait3A_828 = arith.constant 0 : i32
    %dma_wait3A_829 = tpu.memref_slice %arg2[%dma_wait3A_825, %dma_wait3A_828] : memref<26x16384xi32, #tpu.memory_space<hbm>> -> memref<1x1024xi32, #tpu.memory_space<hbm>>
    %dma_wait3A_830 = tpu.memref_squeeze %dma_wait3A_829 : memref<1x1024xi32, #tpu.memory_space<hbm>> -> memref<1024xi32, #tpu.memory_space<hbm>>
    %dma_wait3A_831 = arith.constant 0 : i32
    %dma_wait3A_832 = tpu.memref_slice %arg5[%dma_wait3A_831] : memref<13312xi32, #tpu.memory_space<vmem>> -> memref<1024xi32, #tpu.memory_space<vmem>>
    %dma_wait3A_833 = arith.constant 0 : i32
    %dma_wait3A_834 = tpu.memref_slice %arg2[%dma_wait3A_825, %dma_wait3A_833] : memref<26x16384xi32, #tpu.memory_space<hbm>> -> memref<1x1024xi32, #tpu.memory_space<hbm>>
    %dma_wait3A_835 = tpu.memref_squeeze %dma_wait3A_834 : memref<1x1024xi32, #tpu.memory_space<hbm>> -> memref<1024xi32, #tpu.memory_space<hbm>>
    tpu.wait_dma2 semaphore(%arg6 : memref<!tpu.dma_semaphore, #tpu.memory_space<semaphore_mem>>) src(%dma_wait3A_835 : memref<1024xi32, #tpu.memory_space<hbm>>) dst(%dma_wait3A_832 : memref<1024xi32, #tpu.memory_space<vmem>>)
    %dma_start3A_836 = arith.constant 0 : i32
    %dma_start3A_837 = tpu.memref_slice %arg5[%dma_start3A_836] : memref<13312xi32, #tpu.memory_space<vmem>> -> memref<104xi32, #tpu.memory_space<vmem>>
    %dma_start3A_838 = arith.constant 0 : i32
    %dma_start3A_839 = arith.constant 0 : i32
    %dma_start3A_840 = tpu.memref_slice %arg3[%dma_start3A_838, %dma_start3A_839] : memref<100000x128xf32, #tpu.memory_space<hbm>> -> memref<100000x128xf32, #tpu.memory_space<hbm>>
    tpu.enqueue_indirect_dma source(%dma_start3A_840 : memref<100000x128xf32, #tpu.memory_space<hbm>>) target(%arg7 : memref<104x128xf32, #tpu.memory_space<vmem>>) offsets(%dma_start3A_837 : memref<104xi32, #tpu.memory_space<vmem>>) semaphore(%arg15 : memref<!tpu.dma_semaphore, #tpu.memory_space<semaphore_mem>>)
    %dma_start3A_841 = arith.constant 104 : i32
    %dma_start3A_842 = tpu.memref_slice %arg5[%dma_start3A_841] : memref<13312xi32, #tpu.memory_space<vmem>> -> memref<104xi32, #tpu.memory_space<vmem>>
    %dma_start3A_843 = arith.constant 0 : i32
    %dma_start3A_844 = arith.constant 0 : i32
    %dma_start3A_845 = tpu.memref_slice %arg3[%dma_start3A_843, %dma_start3A_844] : memref<100000x128xf32, #tpu.memory_space<hbm>> -> memref<100000x128xf32, #tpu.memory_space<hbm>>
    tpu.enqueue_indirect_dma source(%dma_start3A_845 : memref<100000x128xf32, #tpu.memory_space<hbm>>) target(%arg8 : memref<104x128xf32, #tpu.memory_space<vmem>>) offsets(%dma_start3A_842 : memref<104xi32, #tpu.memory_space<vmem>>) semaphore(%arg16 : memref<!tpu.dma_semaphore, #tpu.memory_space<semaphore_mem>>)
    %dma_start3A_846 = arith.constant 208 : i32
    %dma_start3A_847 = tpu.memref_slice %arg5[%dma_start3A_846] : memref<13312xi32, #tpu.memory_space<vmem>> -> memref<104xi32, #tpu.memory_space<vmem>>
    %dma_start3A_848 = arith.constant 0 : i32
    %dma_start3A_849 = arith.constant 0 : i32
    %dma_start3A_850 = tpu.memref_slice %arg3[%dma_start3A_848, %dma_start3A_849] : memref<100000x128xf32, #tpu.memory_space<hbm>> -> memref<100000x128xf32, #tpu.memory_space<hbm>>
    tpu.enqueue_indirect_dma source(%dma_start3A_850 : memref<100000x128xf32, #tpu.memory_space<hbm>>) target(%arg9 : memref<104x128xf32, #tpu.memory_space<vmem>>) offsets(%dma_start3A_847 : memref<104xi32, #tpu.memory_space<vmem>>) semaphore(%arg17 : memref<!tpu.dma_semaphore, #tpu.memory_space<semaphore_mem>>)
    %dma_wait3A_851 = arith.constant 0 : i32
    %dma_wait3A_852 = tpu.memref_slice %arg5[%dma_wait3A_851] : memref<13312xi32, #tpu.memory_space<vmem>> -> memref<104xi32, #tpu.memory_space<vmem>>
    %dma_wait3A_853 = arith.constant 0 : i32
    %dma_wait3A_854 = arith.constant 0 : i32
    %dma_wait3A_855 = tpu.memref_slice %arg3[%dma_wait3A_853, %dma_wait3A_854] : memref<100000x128xf32, #tpu.memory_space<hbm>> -> memref<100000x128xf32, #tpu.memory_space<hbm>>
    tpu.wait_indirect_dma semaphore(%arg15 : memref<!tpu.dma_semaphore, #tpu.memory_space<semaphore_mem>>) src(%dma_wait3A_855 : memref<100000x128xf32, #tpu.memory_space<hbm>>) dst(%arg7 : memref<104x128xf32, #tpu.memory_space<vmem>>)
    %add3A_856 = arith.constant 0 : i32
    %add3A_857 = arith.addi %mul3A_2, %add3A_856 : i32
    %dma_start3A_858 = arith.constant 0 : i32
    %dma_start3A_859 = tpu.memref_slice %arg4[%add3A_857, %dma_start3A_858] : memref<425984x128xf32, #tpu.memory_space<hbm>> -> memref<104x128xf32, #tpu.memory_space<hbm>>
    %dma_start3A_860 = arith.constant 0 : i32
    %dma_start3A_861 = tpu.memref_slice %arg4[%add3A_857, %dma_start3A_860] : memref<425984x128xf32, #tpu.memory_space<hbm>> -> memref<104x128xf32, #tpu.memory_space<hbm>>
    tpu.enqueue_dma source(%arg7 : memref<104x128xf32, #tpu.memory_space<vmem>>) target(%dma_start3A_861 : memref<104x128xf32, #tpu.memory_space<hbm>>) target_semaphore(%arg23 : memref<!tpu.dma_semaphore, #tpu.memory_space<semaphore_mem>>)
    %dma_start3A_862 = arith.constant 312 : i32
    %dma_start3A_863 = tpu.memref_slice %arg5[%dma_start3A_862] : memref<13312xi32, #tpu.memory_space<vmem>> -> memref<104xi32, #tpu.memory_space<vmem>>
    %dma_start3A_864 = arith.constant 0 : i32
    %dma_start3A_865 = arith.constant 0 : i32
    %dma_start3A_866 = tpu.memref_slice %arg3[%dma_start3A_864, %dma_start3A_865] : memref<100000x128xf32, #tpu.memory_space<hbm>> -> memref<100000x128xf32, #tpu.memory_space<hbm>>
    tpu.enqueue_indirect_dma source(%dma_start3A_866 : memref<100000x128xf32, #tpu.memory_space<hbm>>) target(%arg10 : memref<104x128xf32, #tpu.memory_space<vmem>>) offsets(%dma_start3A_863 : memref<104xi32, #tpu.memory_space<vmem>>) semaphore(%arg18 : memref<!tpu.dma_semaphore, #tpu.memory_space<semaphore_mem>>)
    %dma_wait3A_867 = arith.constant 0 : i32
    %dma_wait3A_868 = tpu.memref_slice %arg5[%dma_wait3A_867] : memref<13312xi32, #tpu.memory_space<vmem>> -> memref<104xi32, #tpu.memory_space<vmem>>
    %dma_wait3A_869 = arith.constant 0 : i32
    %dma_wait3A_870 = arith.constant 0 : i32
    %dma_wait3A_871 = tpu.memref_slice %arg3[%dma_wait3A_869, %dma_wait3A_870] : memref<100000x128xf32, #tpu.memory_space<hbm>> -> memref<100000x128xf32, #tpu.memory_space<hbm>>
    tpu.wait_indirect_dma semaphore(%arg16 : memref<!tpu.dma_semaphore, #tpu.memory_space<semaphore_mem>>) src(%dma_wait3A_871 : memref<100000x128xf32, #tpu.memory_space<hbm>>) dst(%arg8 : memref<104x128xf32, #tpu.memory_space<vmem>>)
    %add3A_872 = arith.constant 104 : i32
    %add3A_873 = arith.addi %mul3A_2, %add3A_872 : i32
    %dma_start3A_874 = arith.constant 0 : i32
    %dma_start3A_875 = tpu.memref_slice %arg4[%add3A_873, %dma_start3A_874] : memref<425984x128xf32, #tpu.memory_space<hbm>> -> memref<104x128xf32, #tpu.memory_space<hbm>>
    %dma_start3A_876 = arith.constant 0 : i32
    %dma_start3A_877 = tpu.memref_slice %arg4[%add3A_873, %dma_start3A_876] : memref<425984x128xf32, #tpu.memory_space<hbm>> -> memref<104x128xf32, #tpu.memory_space<hbm>>
    tpu.enqueue_dma source(%arg8 : memref<104x128xf32, #tpu.memory_space<vmem>>) target(%dma_start3A_877 : memref<104x128xf32, #tpu.memory_space<hbm>>) target_semaphore(%arg24 : memref<!tpu.dma_semaphore, #tpu.memory_space<semaphore_mem>>)
    %dma_start3A_878 = arith.constant 416 : i32
    %dma_start3A_879 = tpu.memref_slice %arg5[%dma_start3A_878] : memref<13312xi32, #tpu.memory_space<vmem>> -> memref<104xi32, #tpu.memory_space<vmem>>
    %dma_start3A_880 = arith.constant 0 : i32
    %dma_start3A_881 = arith.constant 0 : i32
    %dma_start3A_882 = tpu.memref_slice %arg3[%dma_start3A_880, %dma_start3A_881] : memref<100000x128xf32, #tpu.memory_space<hbm>> -> memref<100000x128xf32, #tpu.memory_space<hbm>>
    tpu.enqueue_indirect_dma source(%dma_start3A_882 : memref<100000x128xf32, #tpu.memory_space<hbm>>) target(%arg11 : memref<104x128xf32, #tpu.memory_space<vmem>>) offsets(%dma_start3A_879 : memref<104xi32, #tpu.memory_space<vmem>>) semaphore(%arg19 : memref<!tpu.dma_semaphore, #tpu.memory_space<semaphore_mem>>)
    %dma_wait3A_883 = arith.constant 0 : i32
    %dma_wait3A_884 = tpu.memref_slice %arg5[%dma_wait3A_883] : memref<13312xi32, #tpu.memory_space<vmem>> -> memref<104xi32, #tpu.memory_space<vmem>>
    %dma_wait3A_885 = arith.constant 0 : i32
    %dma_wait3A_886 = arith.constant 0 : i32
    %dma_wait3A_887 = tpu.memref_slice %arg3[%dma_wait3A_885, %dma_wait3A_886] : memref<100000x128xf32, #tpu.memory_space<hbm>> -> memref<100000x128xf32, #tpu.memory_space<hbm>>
    tpu.wait_indirect_dma semaphore(%arg17 : memref<!tpu.dma_semaphore, #tpu.memory_space<semaphore_mem>>) src(%dma_wait3A_887 : memref<100000x128xf32, #tpu.memory_space<hbm>>) dst(%arg9 : memref<104x128xf32, #tpu.memory_space<vmem>>)
    %add3A_888 = arith.constant 208 : i32
    %add3A_889 = arith.addi %mul3A_2, %add3A_888 : i32
    %dma_start3A_890 = arith.constant 0 : i32
    %dma_start3A_891 = tpu.memref_slice %arg4[%add3A_889, %dma_start3A_890] : memref<425984x128xf32, #tpu.memory_space<hbm>> -> memref<104x128xf32, #tpu.memory_space<hbm>>
    %dma_start3A_892 = arith.constant 0 : i32
    %dma_start3A_893 = tpu.memref_slice %arg4[%add3A_889, %dma_start3A_892] : memref<425984x128xf32, #tpu.memory_space<hbm>> -> memref<104x128xf32, #tpu.memory_space<hbm>>
    tpu.enqueue_dma source(%arg9 : memref<104x128xf32, #tpu.memory_space<vmem>>) target(%dma_start3A_893 : memref<104x128xf32, #tpu.memory_space<hbm>>) target_semaphore(%arg25 : memref<!tpu.dma_semaphore, #tpu.memory_space<semaphore_mem>>)
    %dma_start3A_894 = arith.constant 520 : i32
    %dma_start3A_895 = tpu.memref_slice %arg5[%dma_start3A_894] : memref<13312xi32, #tpu.memory_space<vmem>> -> memref<104xi32, #tpu.memory_space<vmem>>
    %dma_start3A_896 = arith.constant 0 : i32
    %dma_start3A_897 = arith.constant 0 : i32
    %dma_start3A_898 = tpu.memref_slice %arg3[%dma_start3A_896, %dma_start3A_897] : memref<100000x128xf32, #tpu.memory_space<hbm>> -> memref<100000x128xf32, #tpu.memory_space<hbm>>
    tpu.enqueue_indirect_dma source(%dma_start3A_898 : memref<100000x128xf32, #tpu.memory_space<hbm>>) target(%arg12 : memref<104x128xf32, #tpu.memory_space<vmem>>) offsets(%dma_start3A_895 : memref<104xi32, #tpu.memory_space<vmem>>) semaphore(%arg20 : memref<!tpu.dma_semaphore, #tpu.memory_space<semaphore_mem>>)
    %dma_wait3A_899 = arith.constant 0 : i32
    %dma_wait3A_900 = tpu.memref_slice %arg5[%dma_wait3A_899] : memref<13312xi32, #tpu.memory_space<vmem>> -> memref<104xi32, #tpu.memory_space<vmem>>
    %dma_wait3A_901 = arith.constant 0 : i32
    %dma_wait3A_902 = arith.constant 0 : i32
    %dma_wait3A_903 = tpu.memref_slice %arg3[%dma_wait3A_901, %dma_wait3A_902] : memref<100000x128xf32, #tpu.memory_space<hbm>> -> memref<100000x128xf32, #tpu.memory_space<hbm>>
    tpu.wait_indirect_dma semaphore(%arg18 : memref<!tpu.dma_semaphore, #tpu.memory_space<semaphore_mem>>) src(%dma_wait3A_903 : memref<100000x128xf32, #tpu.memory_space<hbm>>) dst(%arg10 : memref<104x128xf32, #tpu.memory_space<vmem>>)
    %add3A_904 = arith.constant 312 : i32
    %add3A_905 = arith.addi %mul3A_2, %add3A_904 : i32
    %dma_start3A_906 = arith.constant 0 : i32
    %dma_start3A_907 = tpu.memref_slice %arg4[%add3A_905, %dma_start3A_906] : memref<425984x128xf32, #tpu.memory_space<hbm>> -> memref<104x128xf32, #tpu.memory_space<hbm>>
    %dma_start3A_908 = arith.constant 0 : i32
    %dma_start3A_909 = tpu.memref_slice %arg4[%add3A_905, %dma_start3A_908] : memref<425984x128xf32, #tpu.memory_space<hbm>> -> memref<104x128xf32, #tpu.memory_space<hbm>>
    tpu.enqueue_dma source(%arg10 : memref<104x128xf32, #tpu.memory_space<vmem>>) target(%dma_start3A_909 : memref<104x128xf32, #tpu.memory_space<hbm>>) target_semaphore(%arg26 : memref<!tpu.dma_semaphore, #tpu.memory_space<semaphore_mem>>)
    %dma_start3A_910 = arith.constant 624 : i32
    %dma_start3A_911 = tpu.memref_slice %arg5[%dma_start3A_910] : memref<13312xi32, #tpu.memory_space<vmem>> -> memref<104xi32, #tpu.memory_space<vmem>>
    %dma_start3A_912 = arith.constant 0 : i32
    %dma_start3A_913 = arith.constant 0 : i32
    %dma_start3A_914 = tpu.memref_slice %arg3[%dma_start3A_912, %dma_start3A_913] : memref<100000x128xf32, #tpu.memory_space<hbm>> -> memref<100000x128xf32, #tpu.memory_space<hbm>>
    tpu.enqueue_indirect_dma source(%dma_start3A_914 : memref<100000x128xf32, #tpu.memory_space<hbm>>) target(%arg13 : memref<104x128xf32, #tpu.memory_space<vmem>>) offsets(%dma_start3A_911 : memref<104xi32, #tpu.memory_space<vmem>>) semaphore(%arg21 : memref<!tpu.dma_semaphore, #tpu.memory_space<semaphore_mem>>)
    %dma_wait3A_915 = arith.constant 0 : i32
    %dma_wait3A_916 = tpu.memref_slice %arg5[%dma_wait3A_915] : memref<13312xi32, #tpu.memory_space<vmem>> -> memref<104xi32, #tpu.memory_space<vmem>>
    %dma_wait3A_917 = arith.constant 0 : i32
    %dma_wait3A_918 = arith.constant 0 : i32
    %dma_wait3A_919 = tpu.memref_slice %arg3[%dma_wait3A_917, %dma_wait3A_918] : memref<100000x128xf32, #tpu.memory_space<hbm>> -> memref<100000x128xf32, #tpu.memory_space<hbm>>
    tpu.wait_indirect_dma semaphore(%arg19 : memref<!tpu.dma_semaphore, #tpu.memory_space<semaphore_mem>>) src(%dma_wait3A_919 : memref<100000x128xf32, #tpu.memory_space<hbm>>) dst(%arg11 : memref<104x128xf32, #tpu.memory_space<vmem>>)
    %add3A_920 = arith.constant 416 : i32
    %add3A_921 = arith.addi %mul3A_2, %add3A_920 : i32
    %dma_start3A_922 = arith.constant 0 : i32
    %dma_start3A_923 = tpu.memref_slice %arg4[%add3A_921, %dma_start3A_922] : memref<425984x128xf32, #tpu.memory_space<hbm>> -> memref<104x128xf32, #tpu.memory_space<hbm>>
    %dma_start3A_924 = arith.constant 0 : i32
    %dma_start3A_925 = tpu.memref_slice %arg4[%add3A_921, %dma_start3A_924] : memref<425984x128xf32, #tpu.memory_space<hbm>> -> memref<104x128xf32, #tpu.memory_space<hbm>>
    tpu.enqueue_dma source(%arg11 : memref<104x128xf32, #tpu.memory_space<vmem>>) target(%dma_start3A_925 : memref<104x128xf32, #tpu.memory_space<hbm>>) target_semaphore(%arg27 : memref<!tpu.dma_semaphore, #tpu.memory_space<semaphore_mem>>)
    %dma_start3A_926 = arith.constant 728 : i32
    %dma_start3A_927 = tpu.memref_slice %arg5[%dma_start3A_926] : memref<13312xi32, #tpu.memory_space<vmem>> -> memref<104xi32, #tpu.memory_space<vmem>>
    %dma_start3A_928 = arith.constant 0 : i32
    %dma_start3A_929 = arith.constant 0 : i32
    %dma_start3A_930 = tpu.memref_slice %arg3[%dma_start3A_928, %dma_start3A_929] : memref<100000x128xf32, #tpu.memory_space<hbm>> -> memref<100000x128xf32, #tpu.memory_space<hbm>>
    tpu.enqueue_indirect_dma source(%dma_start3A_930 : memref<100000x128xf32, #tpu.memory_space<hbm>>) target(%arg14 : memref<104x128xf32, #tpu.memory_space<vmem>>) offsets(%dma_start3A_927 : memref<104xi32, #tpu.memory_space<vmem>>) semaphore(%arg22 : memref<!tpu.dma_semaphore, #tpu.memory_space<semaphore_mem>>)
    %dma_wait3A_931 = arith.constant 0 : i32
    %dma_wait3A_932 = tpu.memref_slice %arg5[%dma_wait3A_931] : memref<13312xi32, #tpu.memory_space<vmem>> -> memref<104xi32, #tpu.memory_space<vmem>>
    %dma_wait3A_933 = arith.constant 0 : i32
    %dma_wait3A_934 = arith.constant 0 : i32
    %dma_wait3A_935 = tpu.memref_slice %arg3[%dma_wait3A_933, %dma_wait3A_934] : memref<100000x128xf32, #tpu.memory_space<hbm>> -> memref<100000x128xf32, #tpu.memory_space<hbm>>
    tpu.wait_indirect_dma semaphore(%arg20 : memref<!tpu.dma_semaphore, #tpu.memory_space<semaphore_mem>>) src(%dma_wait3A_935 : memref<100000x128xf32, #tpu.memory_space<hbm>>) dst(%arg12 : memref<104x128xf32, #tpu.memory_space<vmem>>)
    %add3A_936 = arith.constant 520 : i32
    %add3A_937 = arith.addi %mul3A_2, %add3A_936 : i32
    %dma_start3A_938 = arith.constant 0 : i32
    %dma_start3A_939 = tpu.memref_slice %arg4[%add3A_937, %dma_start3A_938] : memref<425984x128xf32, #tpu.memory_space<hbm>> -> memref<104x128xf32, #tpu.memory_space<hbm>>
    %dma_start3A_940 = arith.constant 0 : i32
    %dma_start3A_941 = tpu.memref_slice %arg4[%add3A_937, %dma_start3A_940] : memref<425984x128xf32, #tpu.memory_space<hbm>> -> memref<104x128xf32, #tpu.memory_space<hbm>>
    tpu.enqueue_dma source(%arg12 : memref<104x128xf32, #tpu.memory_space<vmem>>) target(%dma_start3A_941 : memref<104x128xf32, #tpu.memory_space<hbm>>) target_semaphore(%arg28 : memref<!tpu.dma_semaphore, #tpu.memory_space<semaphore_mem>>)
    %dma_wait3A_942 = arith.constant 0 : i32
    %dma_wait3A_943 = tpu.memref_slice %arg4[%mul3A_2, %dma_wait3A_942] : memref<425984x128xf32, #tpu.memory_space<hbm>> -> memref<104x128xf32, #tpu.memory_space<hbm>>
    %dma_wait3A_944 = arith.constant 0 : i32
    %dma_wait3A_945 = tpu.memref_slice %arg4[%mul3A_2, %dma_wait3A_944] : memref<425984x128xf32, #tpu.memory_space<hbm>> -> memref<104x128xf32, #tpu.memory_space<hbm>>
    tpu.wait_dma2 semaphore(%arg23 : memref<!tpu.dma_semaphore, #tpu.memory_space<semaphore_mem>>) src(%arg7 : memref<104x128xf32, #tpu.memory_space<vmem>>) dst(%dma_wait3A_945 : memref<104x128xf32, #tpu.memory_space<hbm>>)
    %dma_start3A_946 = arith.constant 832 : i32
    %dma_start3A_947 = tpu.memref_slice %arg5[%dma_start3A_946] : memref<13312xi32, #tpu.memory_space<vmem>> -> memref<104xi32, #tpu.memory_space<vmem>>
    %dma_start3A_948 = arith.constant 0 : i32
    %dma_start3A_949 = arith.constant 0 : i32
    %dma_start3A_950 = tpu.memref_slice %arg3[%dma_start3A_948, %dma_start3A_949] : memref<100000x128xf32, #tpu.memory_space<hbm>> -> memref<100000x128xf32, #tpu.memory_space<hbm>>
    tpu.enqueue_indirect_dma source(%dma_start3A_950 : memref<100000x128xf32, #tpu.memory_space<hbm>>) target(%arg7 : memref<104x128xf32, #tpu.memory_space<vmem>>) offsets(%dma_start3A_947 : memref<104xi32, #tpu.memory_space<vmem>>) semaphore(%arg15 : memref<!tpu.dma_semaphore, #tpu.memory_space<semaphore_mem>>)
    %dma_wait3A_951 = arith.constant 0 : i32
    %dma_wait3A_952 = tpu.memref_slice %arg5[%dma_wait3A_951] : memref<13312xi32, #tpu.memory_space<vmem>> -> memref<104xi32, #tpu.memory_space<vmem>>
    %dma_wait3A_953 = arith.constant 0 : i32
    %dma_wait3A_954 = arith.constant 0 : i32
    %dma_wait3A_955 = tpu.memref_slice %arg3[%dma_wait3A_953, %dma_wait3A_954] : memref<100000x128xf32, #tpu.memory_space<hbm>> -> memref<100000x128xf32, #tpu.memory_space<hbm>>
    tpu.wait_indirect_dma semaphore(%arg21 : memref<!tpu.dma_semaphore, #tpu.memory_space<semaphore_mem>>) src(%dma_wait3A_955 : memref<100000x128xf32, #tpu.memory_space<hbm>>) dst(%arg13 : memref<104x128xf32, #tpu.memory_space<vmem>>)
    %add3A_956 = arith.constant 624 : i32
    %add3A_957 = arith.addi %mul3A_2, %add3A_956 : i32
    %dma_start3A_958 = arith.constant 0 : i32
    %dma_start3A_959 = tpu.memref_slice %arg4[%add3A_957, %dma_start3A_958] : memref<425984x128xf32, #tpu.memory_space<hbm>> -> memref<104x128xf32, #tpu.memory_space<hbm>>
    %dma_start3A_960 = arith.constant 0 : i32
    %dma_start3A_961 = tpu.memref_slice %arg4[%add3A_957, %dma_start3A_960] : memref<425984x128xf32, #tpu.memory_space<hbm>> -> memref<104x128xf32, #tpu.memory_space<hbm>>
    tpu.enqueue_dma source(%arg13 : memref<104x128xf32, #tpu.memory_space<vmem>>) target(%dma_start3A_961 : memref<104x128xf32, #tpu.memory_space<hbm>>) target_semaphore(%arg29 : memref<!tpu.dma_semaphore, #tpu.memory_space<semaphore_mem>>)
    %dma_wait3A_962 = arith.constant 0 : i32
    %dma_wait3A_963 = tpu.memref_slice %arg4[%mul3A_2, %dma_wait3A_962] : memref<425984x128xf32, #tpu.memory_space<hbm>> -> memref<104x128xf32, #tpu.memory_space<hbm>>
    %dma_wait3A_964 = arith.constant 0 : i32
    %dma_wait3A_965 = tpu.memref_slice %arg4[%mul3A_2, %dma_wait3A_964] : memref<425984x128xf32, #tpu.memory_space<hbm>> -> memref<104x128xf32, #tpu.memory_space<hbm>>
    tpu.wait_dma2 semaphore(%arg24 : memref<!tpu.dma_semaphore, #tpu.memory_space<semaphore_mem>>) src(%arg8 : memref<104x128xf32, #tpu.memory_space<vmem>>) dst(%dma_wait3A_965 : memref<104x128xf32, #tpu.memory_space<hbm>>)
    %dma_start3A_966 = arith.constant 936 : i32
    %dma_start3A_967 = tpu.memref_slice %arg5[%dma_start3A_966] : memref<13312xi32, #tpu.memory_space<vmem>> -> memref<104xi32, #tpu.memory_space<vmem>>
    %dma_start3A_968 = arith.constant 0 : i32
    %dma_start3A_969 = arith.constant 0 : i32
    %dma_start3A_970 = tpu.memref_slice %arg3[%dma_start3A_968, %dma_start3A_969] : memref<100000x128xf32, #tpu.memory_space<hbm>> -> memref<100000x128xf32, #tpu.memory_space<hbm>>
    tpu.enqueue_indirect_dma source(%dma_start3A_970 : memref<100000x128xf32, #tpu.memory_space<hbm>>) target(%arg8 : memref<104x128xf32, #tpu.memory_space<vmem>>) offsets(%dma_start3A_967 : memref<104xi32, #tpu.memory_space<vmem>>) semaphore(%arg16 : memref<!tpu.dma_semaphore, #tpu.memory_space<semaphore_mem>>)
    %dma_wait3A_971 = arith.constant 0 : i32
    %dma_wait3A_972 = tpu.memref_slice %arg5[%dma_wait3A_971] : memref<13312xi32, #tpu.memory_space<vmem>> -> memref<104xi32, #tpu.memory_space<vmem>>
    %dma_wait3A_973 = arith.constant 0 : i32
    %dma_wait3A_974 = arith.constant 0 : i32
    %dma_wait3A_975 = tpu.memref_slice %arg3[%dma_wait3A_973, %dma_wait3A_974] : memref<100000x128xf32, #tpu.memory_space<hbm>> -> memref<100000x128xf32, #tpu.memory_space<hbm>>
    tpu.wait_indirect_dma semaphore(%arg22 : memref<!tpu.dma_semaphore, #tpu.memory_space<semaphore_mem>>) src(%dma_wait3A_975 : memref<100000x128xf32, #tpu.memory_space<hbm>>) dst(%arg14 : memref<104x128xf32, #tpu.memory_space<vmem>>)
    %add3A_976 = arith.constant 728 : i32
    %add3A_977 = arith.addi %mul3A_2, %add3A_976 : i32
    %dma_start3A_978 = arith.constant 0 : i32
    %dma_start3A_979 = tpu.memref_slice %arg4[%add3A_977, %dma_start3A_978] : memref<425984x128xf32, #tpu.memory_space<hbm>> -> memref<104x128xf32, #tpu.memory_space<hbm>>
    %dma_start3A_980 = arith.constant 0 : i32
    %dma_start3A_981 = tpu.memref_slice %arg4[%add3A_977, %dma_start3A_980] : memref<425984x128xf32, #tpu.memory_space<hbm>> -> memref<104x128xf32, #tpu.memory_space<hbm>>
    tpu.enqueue_dma source(%arg14 : memref<104x128xf32, #tpu.memory_space<vmem>>) target(%dma_start3A_981 : memref<104x128xf32, #tpu.memory_space<hbm>>) target_semaphore(%arg30 : memref<!tpu.dma_semaphore, #tpu.memory_space<semaphore_mem>>)
    %dma_wait3A_982 = arith.constant 0 : i32
    %dma_wait3A_983 = tpu.memref_slice %arg4[%mul3A_2, %dma_wait3A_982] : memref<425984x128xf32, #tpu.memory_space<hbm>> -> memref<104x128xf32, #tpu.memory_space<hbm>>
    %dma_wait3A_984 = arith.constant 0 : i32
    %dma_wait3A_985 = tpu.memref_slice %arg4[%mul3A_2, %dma_wait3A_984] : memref<425984x128xf32, #tpu.memory_space<hbm>> -> memref<104x128xf32, #tpu.memory_space<hbm>>
    tpu.wait_dma2 semaphore(%arg25 : memref<!tpu.dma_semaphore, #tpu.memory_space<semaphore_mem>>) src(%arg9 : memref<104x128xf32, #tpu.memory_space<vmem>>) dst(%dma_wait3A_985 : memref<104x128xf32, #tpu.memory_space<hbm>>)
    %dma_start3A_986 = arith.constant 1040 : i32
    %dma_start3A_987 = tpu.memref_slice %arg5[%dma_start3A_986] : memref<13312xi32, #tpu.memory_space<vmem>> -> memref<104xi32, #tpu.memory_space<vmem>>
    %dma_start3A_988 = arith.constant 0 : i32
    %dma_start3A_989 = arith.constant 0 : i32
    %dma_start3A_990 = tpu.memref_slice %arg3[%dma_start3A_988, %dma_start3A_989] : memref<100000x128xf32, #tpu.memory_space<hbm>> -> memref<100000x128xf32, #tpu.memory_space<hbm>>
    tpu.enqueue_indirect_dma source(%dma_start3A_990 : memref<100000x128xf32, #tpu.memory_space<hbm>>) target(%arg9 : memref<104x128xf32, #tpu.memory_space<vmem>>) offsets(%dma_start3A_987 : memref<104xi32, #tpu.memory_space<vmem>>) semaphore(%arg17 : memref<!tpu.dma_semaphore, #tpu.memory_space<semaphore_mem>>)
    %scan3A = arith.constant 0 : i32
    %scan3A_991 = arith.constant 0 : i32
    %scan3A_992 = arith.constant 14 : i32
    %scan3A_993 = arith.addi %scan3A_991, %scan3A_992 : i32
    %scan3A_994 = arith.constant 1 : i32
    scf.for %scan3A_1161 = %scan3A_991 to %scan3A_993 step %scan3A_994  : i32 {
      %add3A_1162 = arith.constant 1 : i32
      %add3A_1163 = arith.addi %scan3A_1161, %add3A_1162 : i32
      %mul3A_1164 = arith.constant 8 : i32
      %mul3A_1165 = arith.muli %mul3A_1164, %add3A_1163 : i32
      %add3A_1166 = arith.constant 0 : i32
      %add3A_1167 = arith.addi %mul3A_1165, %add3A_1166 : i32
      %dma_wait3A_1168 = arith.constant 0 : i32
      %dma_wait3A_1169 = tpu.memref_slice %arg5[%dma_wait3A_1168] : memref<13312xi32, #tpu.memory_space<vmem>> -> memref<104xi32, #tpu.memory_space<vmem>>
      %dma_wait3A_1170 = arith.constant 0 : i32
      %dma_wait3A_1171 = arith.constant 0 : i32
      %dma_wait3A_1172 = tpu.memref_slice %arg3[%dma_wait3A_1170, %dma_wait3A_1171] : memref<100000x128xf32, #tpu.memory_space<hbm>> -> memref<100000x128xf32, #tpu.memory_space<hbm>>
      tpu.wait_indirect_dma semaphore(%arg15 : memref<!tpu.dma_semaphore, #tpu.memory_space<semaphore_mem>>) src(%dma_wait3A_1172 : memref<100000x128xf32, #tpu.memory_space<hbm>>) dst(%arg7 : memref<104x128xf32, #tpu.memory_space<vmem>>)
      %mul3A_1173 = arith.constant 104 : i32
      %mul3A_1174 = arith.muli %add3A_1167, %mul3A_1173 : i32
      %add3A_1175 = arith.addi %mul3A_2, %mul3A_1174 : i32
      %dma_start3A_1176 = arith.constant 0 : i32
      %dma_start3A_1177 = tpu.memref_slice %arg4[%add3A_1175, %dma_start3A_1176] : memref<425984x128xf32, #tpu.memory_space<hbm>> -> memref<104x128xf32, #tpu.memory_space<hbm>>
      %dma_start3A_1178 = arith.constant 0 : i32
      %dma_start3A_1179 = tpu.memref_slice %arg4[%add3A_1175, %dma_start3A_1178] : memref<425984x128xf32, #tpu.memory_space<hbm>> -> memref<104x128xf32, #tpu.memory_space<hbm>>
      tpu.enqueue_dma source(%arg7 : memref<104x128xf32, #tpu.memory_space<vmem>>) target(%dma_start3A_1179 : memref<104x128xf32, #tpu.memory_space<hbm>>) target_semaphore(%arg23 : memref<!tpu.dma_semaphore, #tpu.memory_space<semaphore_mem>>)
      %dma_wait3A_1180 = arith.constant 0 : i32
      %dma_wait3A_1181 = tpu.memref_slice %arg4[%mul3A_2, %dma_wait3A_1180] : memref<425984x128xf32, #tpu.memory_space<hbm>> -> memref<104x128xf32, #tpu.memory_space<hbm>>
      %dma_wait3A_1182 = arith.constant 0 : i32
      %dma_wait3A_1183 = tpu.memref_slice %arg4[%mul3A_2, %dma_wait3A_1182] : memref<425984x128xf32, #tpu.memory_space<hbm>> -> memref<104x128xf32, #tpu.memory_space<hbm>>
      tpu.wait_dma2 semaphore(%arg26 : memref<!tpu.dma_semaphore, #tpu.memory_space<semaphore_mem>>) src(%arg10 : memref<104x128xf32, #tpu.memory_space<vmem>>) dst(%dma_wait3A_1183 : memref<104x128xf32, #tpu.memory_space<hbm>>)
      %add3A_1184 = arith.constant 3 : i32
      %add3A_1185 = arith.addi %add3A_1167, %add3A_1184 : i32
      %mul3A_1186 = arith.constant 104 : i32
      %mul3A_1187 = arith.muli %add3A_1185, %mul3A_1186 : i32
      %dma_start3A_1188 = tpu.memref_slice %arg5[%mul3A_1187] : memref<13312xi32, #tpu.memory_space<vmem>> -> memref<104xi32, #tpu.memory_space<vmem>>
      %dma_start3A_1189 = arith.constant 0 : i32
      %dma_start3A_1190 = arith.constant 0 : i32
      %dma_start3A_1191 = tpu.memref_slice %arg3[%dma_start3A_1189, %dma_start3A_1190] : memref<100000x128xf32, #tpu.memory_space<hbm>> -> memref<100000x128xf32, #tpu.memory_space<hbm>>
      tpu.enqueue_indirect_dma source(%dma_start3A_1191 : memref<100000x128xf32, #tpu.memory_space<hbm>>) target(%arg10 : memref<104x128xf32, #tpu.memory_space<vmem>>) offsets(%dma_start3A_1188 : memref<104xi32, #tpu.memory_space<vmem>>) semaphore(%arg18 : memref<!tpu.dma_semaphore, #tpu.memory_space<semaphore_mem>>)
      %add3A_1192 = arith.constant 1 : i32
      %add3A_1193 = arith.addi %scan3A_1161, %add3A_1192 : i32
      %mul3A_1194 = arith.constant 8 : i32
      %mul3A_1195 = arith.muli %mul3A_1194, %add3A_1193 : i32
      %add3A_1196 = arith.constant 1 : i32
      %add3A_1197 = arith.addi %mul3A_1195, %add3A_1196 : i32
      %dma_wait3A_1198 = arith.constant 0 : i32
      %dma_wait3A_1199 = tpu.memref_slice %arg5[%dma_wait3A_1198] : memref<13312xi32, #tpu.memory_space<vmem>> -> memref<104xi32, #tpu.memory_space<vmem>>
      %dma_wait3A_1200 = arith.constant 0 : i32
      %dma_wait3A_1201 = arith.constant 0 : i32
      %dma_wait3A_1202 = tpu.memref_slice %arg3[%dma_wait3A_1200, %dma_wait3A_1201] : memref<100000x128xf32, #tpu.memory_space<hbm>> -> memref<100000x128xf32, #tpu.memory_space<hbm>>
      tpu.wait_indirect_dma semaphore(%arg16 : memref<!tpu.dma_semaphore, #tpu.memory_space<semaphore_mem>>) src(%dma_wait3A_1202 : memref<100000x128xf32, #tpu.memory_space<hbm>>) dst(%arg8 : memref<104x128xf32, #tpu.memory_space<vmem>>)
      %mul3A_1203 = arith.constant 104 : i32
      %mul3A_1204 = arith.muli %add3A_1197, %mul3A_1203 : i32
      %add3A_1205 = arith.addi %mul3A_2, %mul3A_1204 : i32
      %dma_start3A_1206 = arith.constant 0 : i32
      %dma_start3A_1207 = tpu.memref_slice %arg4[%add3A_1205, %dma_start3A_1206] : memref<425984x128xf32, #tpu.memory_space<hbm>> -> memref<104x128xf32, #tpu.memory_space<hbm>>
      %dma_start3A_1208 = arith.constant 0 : i32
      %dma_start3A_1209 = tpu.memref_slice %arg4[%add3A_1205, %dma_start3A_1208] : memref<425984x128xf32, #tpu.memory_space<hbm>> -> memref<104x128xf32, #tpu.memory_space<hbm>>
      tpu.enqueue_dma source(%arg8 : memref<104x128xf32, #tpu.memory_space<vmem>>) target(%dma_start3A_1209 : memref<104x128xf32, #tpu.memory_space<hbm>>) target_semaphore(%arg24 : memref<!tpu.dma_semaphore, #tpu.memory_space<semaphore_mem>>)
      %dma_wait3A_1210 = arith.constant 0 : i32
      %dma_wait3A_1211 = tpu.memref_slice %arg4[%mul3A_2, %dma_wait3A_1210] : memref<425984x128xf32, #tpu.memory_space<hbm>> -> memref<104x128xf32, #tpu.memory_space<hbm>>
      %dma_wait3A_1212 = arith.constant 0 : i32
      %dma_wait3A_1213 = tpu.memref_slice %arg4[%mul3A_2, %dma_wait3A_1212] : memref<425984x128xf32, #tpu.memory_space<hbm>> -> memref<104x128xf32, #tpu.memory_space<hbm>>
      tpu.wait_dma2 semaphore(%arg27 : memref<!tpu.dma_semaphore, #tpu.memory_space<semaphore_mem>>) src(%arg11 : memref<104x128xf32, #tpu.memory_space<vmem>>) dst(%dma_wait3A_1213 : memref<104x128xf32, #tpu.memory_space<hbm>>)
      %add3A_1214 = arith.constant 3 : i32
      %add3A_1215 = arith.addi %add3A_1197, %add3A_1214 : i32
      %mul3A_1216 = arith.constant 104 : i32
      %mul3A_1217 = arith.muli %add3A_1215, %mul3A_1216 : i32
      %dma_start3A_1218 = tpu.memref_slice %arg5[%mul3A_1217] : memref<13312xi32, #tpu.memory_space<vmem>> -> memref<104xi32, #tpu.memory_space<vmem>>
      %dma_start3A_1219 = arith.constant 0 : i32
      %dma_start3A_1220 = arith.constant 0 : i32
      %dma_start3A_1221 = tpu.memref_slice %arg3[%dma_start3A_1219, %dma_start3A_1220] : memref<100000x128xf32, #tpu.memory_space<hbm>> -> memref<100000x128xf32, #tpu.memory_space<hbm>>
      tpu.enqueue_indirect_dma source(%dma_start3A_1221 : memref<100000x128xf32, #tpu.memory_space<hbm>>) target(%arg11 : memref<104x128xf32, #tpu.memory_space<vmem>>) offsets(%dma_start3A_1218 : memref<104xi32, #tpu.memory_space<vmem>>) semaphore(%arg19 : memref<!tpu.dma_semaphore, #tpu.memory_space<semaphore_mem>>)
      %add3A_1222 = arith.constant 1 : i32
      %add3A_1223 = arith.addi %scan3A_1161, %add3A_1222 : i32
      %mul3A_1224 = arith.constant 8 : i32
      %mul3A_1225 = arith.muli %mul3A_1224, %add3A_1223 : i32
      %add3A_1226 = arith.constant 2 : i32
      %add3A_1227 = arith.addi %mul3A_1225, %add3A_1226 : i32
      %dma_wait3A_1228 = arith.constant 0 : i32
      %dma_wait3A_1229 = tpu.memref_slice %arg5[%dma_wait3A_1228] : memref<13312xi32, #tpu.memory_space<vmem>> -> memref<104xi32, #tpu.memory_space<vmem>>
      %dma_wait3A_1230 = arith.constant 0 : i32
      %dma_wait3A_1231 = arith.constant 0 : i32
      %dma_wait3A_1232 = tpu.memref_slice %arg3[%dma_wait3A_1230, %dma_wait3A_1231] : memref<100000x128xf32, #tpu.memory_space<hbm>> -> memref<100000x128xf32, #tpu.memory_space<hbm>>
      tpu.wait_indirect_dma semaphore(%arg17 : memref<!tpu.dma_semaphore, #tpu.memory_space<semaphore_mem>>) src(%dma_wait3A_1232 : memref<100000x128xf32, #tpu.memory_space<hbm>>) dst(%arg9 : memref<104x128xf32, #tpu.memory_space<vmem>>)
      %mul3A_1233 = arith.constant 104 : i32
      %mul3A_1234 = arith.muli %add3A_1227, %mul3A_1233 : i32
      %add3A_1235 = arith.addi %mul3A_2, %mul3A_1234 : i32
      %dma_start3A_1236 = arith.constant 0 : i32
      %dma_start3A_1237 = tpu.memref_slice %arg4[%add3A_1235, %dma_start3A_1236] : memref<425984x128xf32, #tpu.memory_space<hbm>> -> memref<104x128xf32, #tpu.memory_space<hbm>>
      %dma_start3A_1238 = arith.constant 0 : i32
      %dma_start3A_1239 = tpu.memref_slice %arg4[%add3A_1235, %dma_start3A_1238] : memref<425984x128xf32, #tpu.memory_space<hbm>> -> memref<104x128xf32, #tpu.memory_space<hbm>>
      tpu.enqueue_dma source(%arg9 : memref<104x128xf32, #tpu.memory_space<vmem>>) target(%dma_start3A_1239 : memref<104x128xf32, #tpu.memory_space<hbm>>) target_semaphore(%arg25 : memref<!tpu.dma_semaphore, #tpu.memory_space<semaphore_mem>>)
      %dma_wait3A_1240 = arith.constant 0 : i32
      %dma_wait3A_1241 = tpu.memref_slice %arg4[%mul3A_2, %dma_wait3A_1240] : memref<425984x128xf32, #tpu.memory_space<hbm>> -> memref<104x128xf32, #tpu.memory_space<hbm>>
      %dma_wait3A_1242 = arith.constant 0 : i32
      %dma_wait3A_1243 = tpu.memref_slice %arg4[%mul3A_2, %dma_wait3A_1242] : memref<425984x128xf32, #tpu.memory_space<hbm>> -> memref<104x128xf32, #tpu.memory_space<hbm>>
      tpu.wait_dma2 semaphore(%arg28 : memref<!tpu.dma_semaphore, #tpu.memory_space<semaphore_mem>>) src(%arg12 : memref<104x128xf32, #tpu.memory_space<vmem>>) dst(%dma_wait3A_1243 : memref<104x128xf32, #tpu.memory_space<hbm>>)
      %add3A_1244 = arith.constant 3 : i32
      %add3A_1245 = arith.addi %add3A_1227, %add3A_1244 : i32
      %mul3A_1246 = arith.constant 104 : i32
      %mul3A_1247 = arith.muli %add3A_1245, %mul3A_1246 : i32
      %dma_start3A_1248 = tpu.memref_slice %arg5[%mul3A_1247] : memref<13312xi32, #tpu.memory_space<vmem>> -> memref<104xi32, #tpu.memory_space<vmem>>
      %dma_start3A_1249 = arith.constant 0 : i32
      %dma_start3A_1250 = arith.constant 0 : i32
      %dma_start3A_1251 = tpu.memref_slice %arg3[%dma_start3A_1249, %dma_start3A_1250] : memref<100000x128xf32, #tpu.memory_space<hbm>> -> memref<100000x128xf32, #tpu.memory_space<hbm>>
      tpu.enqueue_indirect_dma source(%dma_start3A_1251 : memref<100000x128xf32, #tpu.memory_space<hbm>>) target(%arg12 : memref<104x128xf32, #tpu.memory_space<vmem>>) offsets(%dma_start3A_1248 : memref<104xi32, #tpu.memory_space<vmem>>) semaphore(%arg20 : memref<!tpu.dma_semaphore, #tpu.memory_space<semaphore_mem>>)
      %add3A_1252 = arith.constant 1 : i32
      %add3A_1253 = arith.addi %scan3A_1161, %add3A_1252 : i32
      %mul3A_1254 = arith.constant 8 : i32
      %mul3A_1255 = arith.muli %mul3A_1254, %add3A_1253 : i32
      %add3A_1256 = arith.constant 3 : i32
      %add3A_1257 = arith.addi %mul3A_1255, %add3A_1256 : i32
      %dma_wait3A_1258 = arith.constant 0 : i32
      %dma_wait3A_1259 = tpu.memref_slice %arg5[%dma_wait3A_1258] : memref<13312xi32, #tpu.memory_space<vmem>> -> memref<104xi32, #tpu.memory_space<vmem>>
      %dma_wait3A_1260 = arith.constant 0 : i32
      %dma_wait3A_1261 = arith.constant 0 : i32
      %dma_wait3A_1262 = tpu.memref_slice %arg3[%dma_wait3A_1260, %dma_wait3A_1261] : memref<100000x128xf32, #tpu.memory_space<hbm>> -> memref<100000x128xf32, #tpu.memory_space<hbm>>
      tpu.wait_indirect_dma semaphore(%arg18 : memref<!tpu.dma_semaphore, #tpu.memory_space<semaphore_mem>>) src(%dma_wait3A_1262 : memref<100000x128xf32, #tpu.memory_space<hbm>>) dst(%arg10 : memref<104x128xf32, #tpu.memory_space<vmem>>)
      %mul3A_1263 = arith.constant 104 : i32
      %mul3A_1264 = arith.muli %add3A_1257, %mul3A_1263 : i32
      %add3A_1265 = arith.addi %mul3A_2, %mul3A_1264 : i32
      %dma_start3A_1266 = arith.constant 0 : i32
      %dma_start3A_1267 = tpu.memref_slice %arg4[%add3A_1265, %dma_start3A_1266] : memref<425984x128xf32, #tpu.memory_space<hbm>> -> memref<104x128xf32, #tpu.memory_space<hbm>>
      %dma_start3A_1268 = arith.constant 0 : i32
      %dma_start3A_1269 = tpu.memref_slice %arg4[%add3A_1265, %dma_start3A_1268] : memref<425984x128xf32, #tpu.memory_space<hbm>> -> memref<104x128xf32, #tpu.memory_space<hbm>>
      tpu.enqueue_dma source(%arg10 : memref<104x128xf32, #tpu.memory_space<vmem>>) target(%dma_start3A_1269 : memref<104x128xf32, #tpu.memory_space<hbm>>) target_semaphore(%arg26 : memref<!tpu.dma_semaphore, #tpu.memory_space<semaphore_mem>>)
      %dma_wait3A_1270 = arith.constant 0 : i32
      %dma_wait3A_1271 = tpu.memref_slice %arg4[%mul3A_2, %dma_wait3A_1270] : memref<425984x128xf32, #tpu.memory_space<hbm>> -> memref<104x128xf32, #tpu.memory_space<hbm>>
      %dma_wait3A_1272 = arith.constant 0 : i32
      %dma_wait3A_1273 = tpu.memref_slice %arg4[%mul3A_2, %dma_wait3A_1272] : memref<425984x128xf32, #tpu.memory_space<hbm>> -> memref<104x128xf32, #tpu.memory_space<hbm>>
      tpu.wait_dma2 semaphore(%arg29 : memref<!tpu.dma_semaphore, #tpu.memory_space<semaphore_mem>>) src(%arg13 : memref<104x128xf32, #tpu.memory_space<vmem>>) dst(%dma_wait3A_1273 : memref<104x128xf32, #tpu.memory_space<hbm>>)
      %add3A_1274 = arith.constant 3 : i32
      %add3A_1275 = arith.addi %add3A_1257, %add3A_1274 : i32
      %mul3A_1276 = arith.constant 104 : i32
      %mul3A_1277 = arith.muli %add3A_1275, %mul3A_1276 : i32
      %dma_start3A_1278 = tpu.memref_slice %arg5[%mul3A_1277] : memref<13312xi32, #tpu.memory_space<vmem>> -> memref<104xi32, #tpu.memory_space<vmem>>
      %dma_start3A_1279 = arith.constant 0 : i32
      %dma_start3A_1280 = arith.constant 0 : i32
      %dma_start3A_1281 = tpu.memref_slice %arg3[%dma_start3A_1279, %dma_start3A_1280] : memref<100000x128xf32, #tpu.memory_space<hbm>> -> memref<100000x128xf32, #tpu.memory_space<hbm>>
      tpu.enqueue_indirect_dma source(%dma_start3A_1281 : memref<100000x128xf32, #tpu.memory_space<hbm>>) target(%arg13 : memref<104x128xf32, #tpu.memory_space<vmem>>) offsets(%dma_start3A_1278 : memref<104xi32, #tpu.memory_space<vmem>>) semaphore(%arg21 : memref<!tpu.dma_semaphore, #tpu.memory_space<semaphore_mem>>)
      %add3A_1282 = arith.constant 1 : i32
      %add3A_1283 = arith.addi %scan3A_1161, %add3A_1282 : i32
      %mul3A_1284 = arith.constant 8 : i32
      %mul3A_1285 = arith.muli %mul3A_1284, %add3A_1283 : i32
      %add3A_1286 = arith.constant 4 : i32
      %add3A_1287 = arith.addi %mul3A_1285, %add3A_1286 : i32
      %dma_wait3A_1288 = arith.constant 0 : i32
      %dma_wait3A_1289 = tpu.memref_slice %arg5[%dma_wait3A_1288] : memref<13312xi32, #tpu.memory_space<vmem>> -> memref<104xi32, #tpu.memory_space<vmem>>
      %dma_wait3A_1290 = arith.constant 0 : i32
      %dma_wait3A_1291 = arith.constant 0 : i32
      %dma_wait3A_1292 = tpu.memref_slice %arg3[%dma_wait3A_1290, %dma_wait3A_1291] : memref<100000x128xf32, #tpu.memory_space<hbm>> -> memref<100000x128xf32, #tpu.memory_space<hbm>>
      tpu.wait_indirect_dma semaphore(%arg19 : memref<!tpu.dma_semaphore, #tpu.memory_space<semaphore_mem>>) src(%dma_wait3A_1292 : memref<100000x128xf32, #tpu.memory_space<hbm>>) dst(%arg11 : memref<104x128xf32, #tpu.memory_space<vmem>>)
      %mul3A_1293 = arith.constant 104 : i32
      %mul3A_1294 = arith.muli %add3A_1287, %mul3A_1293 : i32
      %add3A_1295 = arith.addi %mul3A_2, %mul3A_1294 : i32
      %dma_start3A_1296 = arith.constant 0 : i32
      %dma_start3A_1297 = tpu.memref_slice %arg4[%add3A_1295, %dma_start3A_1296] : memref<425984x128xf32, #tpu.memory_space<hbm>> -> memref<104x128xf32, #tpu.memory_space<hbm>>
      %dma_start3A_1298 = arith.constant 0 : i32
      %dma_start3A_1299 = tpu.memref_slice %arg4[%add3A_1295, %dma_start3A_1298] : memref<425984x128xf32, #tpu.memory_space<hbm>> -> memref<104x128xf32, #tpu.memory_space<hbm>>
      tpu.enqueue_dma source(%arg11 : memref<104x128xf32, #tpu.memory_space<vmem>>) target(%dma_start3A_1299 : memref<104x128xf32, #tpu.memory_space<hbm>>) target_semaphore(%arg27 : memref<!tpu.dma_semaphore, #tpu.memory_space<semaphore_mem>>)
      %dma_wait3A_1300 = arith.constant 0 : i32
      %dma_wait3A_1301 = tpu.memref_slice %arg4[%mul3A_2, %dma_wait3A_1300] : memref<425984x128xf32, #tpu.memory_space<hbm>> -> memref<104x128xf32, #tpu.memory_space<hbm>>
      %dma_wait3A_1302 = arith.constant 0 : i32
      %dma_wait3A_1303 = tpu.memref_slice %arg4[%mul3A_2, %dma_wait3A_1302] : memref<425984x128xf32, #tpu.memory_space<hbm>> -> memref<104x128xf32, #tpu.memory_space<hbm>>
      tpu.wait_dma2 semaphore(%arg30 : memref<!tpu.dma_semaphore, #tpu.memory_space<semaphore_mem>>) src(%arg14 : memref<104x128xf32, #tpu.memory_space<vmem>>) dst(%dma_wait3A_1303 : memref<104x128xf32, #tpu.memory_space<hbm>>)
      %add3A_1304 = arith.constant 3 : i32
      %add3A_1305 = arith.addi %add3A_1287, %add3A_1304 : i32
      %mul3A_1306 = arith.constant 104 : i32
      %mul3A_1307 = arith.muli %add3A_1305, %mul3A_1306 : i32
      %dma_start3A_1308 = tpu.memref_slice %arg5[%mul3A_1307] : memref<13312xi32, #tpu.memory_space<vmem>> -> memref<104xi32, #tpu.memory_space<vmem>>
      %dma_start3A_1309 = arith.constant 0 : i32
      %dma_start3A_1310 = arith.constant 0 : i32
      %dma_start3A_1311 = tpu.memref_slice %arg3[%dma_start3A_1309, %dma_start3A_1310] : memref<100000x128xf32, #tpu.memory_space<hbm>> -> memref<100000x128xf32, #tpu.memory_space<hbm>>
      tpu.enqueue_indirect_dma source(%dma_start3A_1311 : memref<100000x128xf32, #tpu.memory_space<hbm>>) target(%arg14 : memref<104x128xf32, #tpu.memory_space<vmem>>) offsets(%dma_start3A_1308 : memref<104xi32, #tpu.memory_space<vmem>>) semaphore(%arg22 : memref<!tpu.dma_semaphore, #tpu.memory_space<semaphore_mem>>)
      %add3A_1312 = arith.constant 1 : i32
      %add3A_1313 = arith.addi %scan3A_1161, %add3A_1312 : i32
      %mul3A_1314 = arith.constant 8 : i32
      %mul3A_1315 = arith.muli %mul3A_1314, %add3A_1313 : i32
      %add3A_1316 = arith.constant 5 : i32
      %add3A_1317 = arith.addi %mul3A_1315, %add3A_1316 : i32
      %dma_wait3A_1318 = arith.constant 0 : i32
      %dma_wait3A_1319 = tpu.memref_slice %arg5[%dma_wait3A_1318] : memref<13312xi32, #tpu.memory_space<vmem>> -> memref<104xi32, #tpu.memory_space<vmem>>
      %dma_wait3A_1320 = arith.constant 0 : i32
      %dma_wait3A_1321 = arith.constant 0 : i32
      %dma_wait3A_1322 = tpu.memref_slice %arg3[%dma_wait3A_1320, %dma_wait3A_1321] : memref<100000x128xf32, #tpu.memory_space<hbm>> -> memref<100000x128xf32, #tpu.memory_space<hbm>>
      tpu.wait_indirect_dma semaphore(%arg20 : memref<!tpu.dma_semaphore, #tpu.memory_space<semaphore_mem>>) src(%dma_wait3A_1322 : memref<100000x128xf32, #tpu.memory_space<hbm>>) dst(%arg12 : memref<104x128xf32, #tpu.memory_space<vmem>>)
      %mul3A_1323 = arith.constant 104 : i32
      %mul3A_1324 = arith.muli %add3A_1317, %mul3A_1323 : i32
      %add3A_1325 = arith.addi %mul3A_2, %mul3A_1324 : i32
      %dma_start3A_1326 = arith.constant 0 : i32
      %dma_start3A_1327 = tpu.memref_slice %arg4[%add3A_1325, %dma_start3A_1326] : memref<425984x128xf32, #tpu.memory_space<hbm>> -> memref<104x128xf32, #tpu.memory_space<hbm>>
      %dma_start3A_1328 = arith.constant 0 : i32
      %dma_start3A_1329 = tpu.memref_slice %arg4[%add3A_1325, %dma_start3A_1328] : memref<425984x128xf32, #tpu.memory_space<hbm>> -> memref<104x128xf32, #tpu.memory_space<hbm>>
      tpu.enqueue_dma source(%arg12 : memref<104x128xf32, #tpu.memory_space<vmem>>) target(%dma_start3A_1329 : memref<104x128xf32, #tpu.memory_space<hbm>>) target_semaphore(%arg28 : memref<!tpu.dma_semaphore, #tpu.memory_space<semaphore_mem>>)
      %dma_wait3A_1330 = arith.constant 0 : i32
      %dma_wait3A_1331 = tpu.memref_slice %arg4[%mul3A_2, %dma_wait3A_1330] : memref<425984x128xf32, #tpu.memory_space<hbm>> -> memref<104x128xf32, #tpu.memory_space<hbm>>
      %dma_wait3A_1332 = arith.constant 0 : i32
      %dma_wait3A_1333 = tpu.memref_slice %arg4[%mul3A_2, %dma_wait3A_1332] : memref<425984x128xf32, #tpu.memory_space<hbm>> -> memref<104x128xf32, #tpu.memory_space<hbm>>
      tpu.wait_dma2 semaphore(%arg23 : memref<!tpu.dma_semaphore, #tpu.memory_space<semaphore_mem>>) src(%arg7 : memref<104x128xf32, #tpu.memory_space<vmem>>) dst(%dma_wait3A_1333 : memref<104x128xf32, #tpu.memory_space<hbm>>)
      %add3A_1334 = arith.constant 3 : i32
      %add3A_1335 = arith.addi %add3A_1317, %add3A_1334 : i32
      %mul3A_1336 = arith.constant 104 : i32
      %mul3A_1337 = arith.muli %add3A_1335, %mul3A_1336 : i32
      %dma_start3A_1338 = tpu.memref_slice %arg5[%mul3A_1337] : memref<13312xi32, #tpu.memory_space<vmem>> -> memref<104xi32, #tpu.memory_space<vmem>>
      %dma_start3A_1339 = arith.constant 0 : i32
      %dma_start3A_1340 = arith.constant 0 : i32
      %dma_start3A_1341 = tpu.memref_slice %arg3[%dma_start3A_1339, %dma_start3A_1340] : memref<100000x128xf32, #tpu.memory_space<hbm>> -> memref<100000x128xf32, #tpu.memory_space<hbm>>
      tpu.enqueue_indirect_dma source(%dma_start3A_1341 : memref<100000x128xf32, #tpu.memory_space<hbm>>) target(%arg7 : memref<104x128xf32, #tpu.memory_space<vmem>>) offsets(%dma_start3A_1338 : memref<104xi32, #tpu.memory_space<vmem>>) semaphore(%arg15 : memref<!tpu.dma_semaphore, #tpu.memory_space<semaphore_mem>>)
      %add3A_1342 = arith.constant 1 : i32
      %add3A_1343 = arith.addi %scan3A_1161, %add3A_1342 : i32
      %mul3A_1344 = arith.constant 8 : i32
      %mul3A_1345 = arith.muli %mul3A_1344, %add3A_1343 : i32
      %add3A_1346 = arith.constant 6 : i32
      %add3A_1347 = arith.addi %mul3A_1345, %add3A_1346 : i32
      %dma_wait3A_1348 = arith.constant 0 : i32
      %dma_wait3A_1349 = tpu.memref_slice %arg5[%dma_wait3A_1348] : memref<13312xi32, #tpu.memory_space<vmem>> -> memref<104xi32, #tpu.memory_space<vmem>>
      %dma_wait3A_1350 = arith.constant 0 : i32
      %dma_wait3A_1351 = arith.constant 0 : i32
      %dma_wait3A_1352 = tpu.memref_slice %arg3[%dma_wait3A_1350, %dma_wait3A_1351] : memref<100000x128xf32, #tpu.memory_space<hbm>> -> memref<100000x128xf32, #tpu.memory_space<hbm>>
      tpu.wait_indirect_dma semaphore(%arg21 : memref<!tpu.dma_semaphore, #tpu.memory_space<semaphore_mem>>) src(%dma_wait3A_1352 : memref<100000x128xf32, #tpu.memory_space<hbm>>) dst(%arg13 : memref<104x128xf32, #tpu.memory_space<vmem>>)
      %mul3A_1353 = arith.constant 104 : i32
      %mul3A_1354 = arith.muli %add3A_1347, %mul3A_1353 : i32
      %add3A_1355 = arith.addi %mul3A_2, %mul3A_1354 : i32
      %dma_start3A_1356 = arith.constant 0 : i32
      %dma_start3A_1357 = tpu.memref_slice %arg4[%add3A_1355, %dma_start3A_1356] : memref<425984x128xf32, #tpu.memory_space<hbm>> -> memref<104x128xf32, #tpu.memory_space<hbm>>
      %dma_start3A_1358 = arith.constant 0 : i32
      %dma_start3A_1359 = tpu.memref_slice %arg4[%add3A_1355, %dma_start3A_1358] : memref<425984x128xf32, #tpu.memory_space<hbm>> -> memref<104x128xf32, #tpu.memory_space<hbm>>
      tpu.enqueue_dma source(%arg13 : memref<104x128xf32, #tpu.memory_space<vmem>>) target(%dma_start3A_1359 : memref<104x128xf32, #tpu.memory_space<hbm>>) target_semaphore(%arg29 : memref<!tpu.dma_semaphore, #tpu.memory_space<semaphore_mem>>)
      %dma_wait3A_1360 = arith.constant 0 : i32
      %dma_wait3A_1361 = tpu.memref_slice %arg4[%mul3A_2, %dma_wait3A_1360] : memref<425984x128xf32, #tpu.memory_space<hbm>> -> memref<104x128xf32, #tpu.memory_space<hbm>>
      %dma_wait3A_1362 = arith.constant 0 : i32
      %dma_wait3A_1363 = tpu.memref_slice %arg4[%mul3A_2, %dma_wait3A_1362] : memref<425984x128xf32, #tpu.memory_space<hbm>> -> memref<104x128xf32, #tpu.memory_space<hbm>>
      tpu.wait_dma2 semaphore(%arg24 : memref<!tpu.dma_semaphore, #tpu.memory_space<semaphore_mem>>) src(%arg8 : memref<104x128xf32, #tpu.memory_space<vmem>>) dst(%dma_wait3A_1363 : memref<104x128xf32, #tpu.memory_space<hbm>>)
      %add3A_1364 = arith.constant 3 : i32
      %add3A_1365 = arith.addi %add3A_1347, %add3A_1364 : i32
      %mul3A_1366 = arith.constant 104 : i32
      %mul3A_1367 = arith.muli %add3A_1365, %mul3A_1366 : i32
      %dma_start3A_1368 = tpu.memref_slice %arg5[%mul3A_1367] : memref<13312xi32, #tpu.memory_space<vmem>> -> memref<104xi32, #tpu.memory_space<vmem>>
      %dma_start3A_1369 = arith.constant 0 : i32
      %dma_start3A_1370 = arith.constant 0 : i32
      %dma_start3A_1371 = tpu.memref_slice %arg3[%dma_start3A_1369, %dma_start3A_1370] : memref<100000x128xf32, #tpu.memory_space<hbm>> -> memref<100000x128xf32, #tpu.memory_space<hbm>>
      tpu.enqueue_indirect_dma source(%dma_start3A_1371 : memref<100000x128xf32, #tpu.memory_space<hbm>>) target(%arg8 : memref<104x128xf32, #tpu.memory_space<vmem>>) offsets(%dma_start3A_1368 : memref<104xi32, #tpu.memory_space<vmem>>) semaphore(%arg16 : memref<!tpu.dma_semaphore, #tpu.memory_space<semaphore_mem>>)
      %add3A_1372 = arith.constant 1 : i32
      %add3A_1373 = arith.addi %scan3A_1161, %add3A_1372 : i32
      %mul3A_1374 = arith.constant 8 : i32
      %mul3A_1375 = arith.muli %mul3A_1374, %add3A_1373 : i32
      %add3A_1376 = arith.constant 7 : i32
      %add3A_1377 = arith.addi %mul3A_1375, %add3A_1376 : i32
      %dma_wait3A_1378 = arith.constant 0 : i32
      %dma_wait3A_1379 = tpu.memref_slice %arg5[%dma_wait3A_1378] : memref<13312xi32, #tpu.memory_space<vmem>> -> memref<104xi32, #tpu.memory_space<vmem>>
      %dma_wait3A_1380 = arith.constant 0 : i32
      %dma_wait3A_1381 = arith.constant 0 : i32
      %dma_wait3A_1382 = tpu.memref_slice %arg3[%dma_wait3A_1380, %dma_wait3A_1381] : memref<100000x128xf32, #tpu.memory_space<hbm>> -> memref<100000x128xf32, #tpu.memory_space<hbm>>
      tpu.wait_indirect_dma semaphore(%arg22 : memref<!tpu.dma_semaphore, #tpu.memory_space<semaphore_mem>>) src(%dma_wait3A_1382 : memref<100000x128xf32, #tpu.memory_space<hbm>>) dst(%arg14 : memref<104x128xf32, #tpu.memory_space<vmem>>)
      %mul3A_1383 = arith.constant 104 : i32
      %mul3A_1384 = arith.muli %add3A_1377, %mul3A_1383 : i32
      %add3A_1385 = arith.addi %mul3A_2, %mul3A_1384 : i32
      %dma_start3A_1386 = arith.constant 0 : i32
      %dma_start3A_1387 = tpu.memref_slice %arg4[%add3A_1385, %dma_start3A_1386] : memref<425984x128xf32, #tpu.memory_space<hbm>> -> memref<104x128xf32, #tpu.memory_space<hbm>>
      %dma_start3A_1388 = arith.constant 0 : i32
      %dma_start3A_1389 = tpu.memref_slice %arg4[%add3A_1385, %dma_start3A_1388] : memref<425984x128xf32, #tpu.memory_space<hbm>> -> memref<104x128xf32, #tpu.memory_space<hbm>>
      tpu.enqueue_dma source(%arg14 : memref<104x128xf32, #tpu.memory_space<vmem>>) target(%dma_start3A_1389 : memref<104x128xf32, #tpu.memory_space<hbm>>) target_semaphore(%arg30 : memref<!tpu.dma_semaphore, #tpu.memory_space<semaphore_mem>>)
      %dma_wait3A_1390 = arith.constant 0 : i32
      %dma_wait3A_1391 = tpu.memref_slice %arg4[%mul3A_2, %dma_wait3A_1390] : memref<425984x128xf32, #tpu.memory_space<hbm>> -> memref<104x128xf32, #tpu.memory_space<hbm>>
      %dma_wait3A_1392 = arith.constant 0 : i32
      %dma_wait3A_1393 = tpu.memref_slice %arg4[%mul3A_2, %dma_wait3A_1392] : memref<425984x128xf32, #tpu.memory_space<hbm>> -> memref<104x128xf32, #tpu.memory_space<hbm>>
      tpu.wait_dma2 semaphore(%arg25 : memref<!tpu.dma_semaphore, #tpu.memory_space<semaphore_mem>>) src(%arg9 : memref<104x128xf32, #tpu.memory_space<vmem>>) dst(%dma_wait3A_1393 : memref<104x128xf32, #tpu.memory_space<hbm>>)
      %add3A_1394 = arith.constant 3 : i32
      %add3A_1395 = arith.addi %add3A_1377, %add3A_1394 : i32
      %mul3A_1396 = arith.constant 104 : i32
      %mul3A_1397 = arith.muli %add3A_1395, %mul3A_1396 : i32
      %dma_start3A_1398 = tpu.memref_slice %arg5[%mul3A_1397] : memref<13312xi32, #tpu.memory_space<vmem>> -> memref<104xi32, #tpu.memory_space<vmem>>
      %dma_start3A_1399 = arith.constant 0 : i32
      %dma_start3A_1400 = arith.constant 0 : i32
      %dma_start3A_1401 = tpu.memref_slice %arg3[%dma_start3A_1399, %dma_start3A_1400] : memref<100000x128xf32, #tpu.memory_space<hbm>> -> memref<100000x128xf32, #tpu.memory_space<hbm>>
      tpu.enqueue_indirect_dma source(%dma_start3A_1401 : memref<100000x128xf32, #tpu.memory_space<hbm>>) target(%arg9 : memref<104x128xf32, #tpu.memory_space<vmem>>) offsets(%dma_start3A_1398 : memref<104xi32, #tpu.memory_space<vmem>>) semaphore(%arg17 : memref<!tpu.dma_semaphore, #tpu.memory_space<semaphore_mem>>)
    }
    %scan3A_995 = arith.constant 14 : i32
    %dma_wait3A_996 = arith.constant 0 : i32
    %dma_wait3A_997 = tpu.memref_slice %arg5[%dma_wait3A_996] : memref<13312xi32, #tpu.memory_space<vmem>> -> memref<104xi32, #tpu.memory_space<vmem>>
    %dma_wait3A_998 = arith.constant 0 : i32
    %dma_wait3A_999 = arith.constant 0 : i32
    %dma_wait3A_1000 = tpu.memref_slice %arg3[%dma_wait3A_998, %dma_wait3A_999] : memref<100000x128xf32, #tpu.memory_space<hbm>> -> memref<100000x128xf32, #tpu.memory_space<hbm>>
    tpu.wait_indirect_dma semaphore(%arg15 : memref<!tpu.dma_semaphore, #tpu.memory_space<semaphore_mem>>) src(%dma_wait3A_1000 : memref<100000x128xf32, #tpu.memory_space<hbm>>) dst(%arg7 : memref<104x128xf32, #tpu.memory_space<vmem>>)
    %add3A_1001 = arith.constant 12480 : i32
    %add3A_1002 = arith.addi %mul3A_2, %add3A_1001 : i32
    %dma_start3A_1003 = arith.constant 0 : i32
    %dma_start3A_1004 = tpu.memref_slice %arg4[%add3A_1002, %dma_start3A_1003] : memref<425984x128xf32, #tpu.memory_space<hbm>> -> memref<104x128xf32, #tpu.memory_space<hbm>>
    %dma_start3A_1005 = arith.constant 0 : i32
    %dma_start3A_1006 = tpu.memref_slice %arg4[%add3A_1002, %dma_start3A_1005] : memref<425984x128xf32, #tpu.memory_space<hbm>> -> memref<104x128xf32, #tpu.memory_space<hbm>>
    tpu.enqueue_dma source(%arg7 : memref<104x128xf32, #tpu.memory_space<vmem>>) target(%dma_start3A_1006 : memref<104x128xf32, #tpu.memory_space<hbm>>) target_semaphore(%arg23 : memref<!tpu.dma_semaphore, #tpu.memory_space<semaphore_mem>>)
    %dma_wait3A_1007 = arith.constant 0 : i32
    %dma_wait3A_1008 = tpu.memref_slice %arg4[%mul3A_2, %dma_wait3A_1007] : memref<425984x128xf32, #tpu.memory_space<hbm>> -> memref<104x128xf32, #tpu.memory_space<hbm>>
    %dma_wait3A_1009 = arith.constant 0 : i32
    %dma_wait3A_1010 = tpu.memref_slice %arg4[%mul3A_2, %dma_wait3A_1009] : memref<425984x128xf32, #tpu.memory_space<hbm>> -> memref<104x128xf32, #tpu.memory_space<hbm>>
    tpu.wait_dma2 semaphore(%arg26 : memref<!tpu.dma_semaphore, #tpu.memory_space<semaphore_mem>>) src(%arg10 : memref<104x128xf32, #tpu.memory_space<vmem>>) dst(%dma_wait3A_1010 : memref<104x128xf32, #tpu.memory_space<hbm>>)
    %dma_start3A_1011 = arith.constant 12792 : i32
    %dma_start3A_1012 = tpu.memref_slice %arg5[%dma_start3A_1011] : memref<13312xi32, #tpu.memory_space<vmem>> -> memref<104xi32, #tpu.memory_space<vmem>>
    %dma_start3A_1013 = arith.constant 0 : i32
    %dma_start3A_1014 = arith.constant 0 : i32
    %dma_start3A_1015 = tpu.memref_slice %arg3[%dma_start3A_1013, %dma_start3A_1014] : memref<100000x128xf32, #tpu.memory_space<hbm>> -> memref<100000x128xf32, #tpu.memory_space<hbm>>
    tpu.enqueue_indirect_dma source(%dma_start3A_1015 : memref<100000x128xf32, #tpu.memory_space<hbm>>) target(%arg10 : memref<104x128xf32, #tpu.memory_space<vmem>>) offsets(%dma_start3A_1012 : memref<104xi32, #tpu.memory_space<vmem>>) semaphore(%arg18 : memref<!tpu.dma_semaphore, #tpu.memory_space<semaphore_mem>>)
    %dma_wait3A_1016 = arith.constant 0 : i32
    %dma_wait3A_1017 = tpu.memref_slice %arg5[%dma_wait3A_1016] : memref<13312xi32, #tpu.memory_space<vmem>> -> memref<104xi32, #tpu.memory_space<vmem>>
    %dma_wait3A_1018 = arith.constant 0 : i32
    %dma_wait3A_1019 = arith.constant 0 : i32
    %dma_wait3A_1020 = tpu.memref_slice %arg3[%dma_wait3A_1018, %dma_wait3A_1019] : memref<100000x128xf32, #tpu.memory_space<hbm>> -> memref<100000x128xf32, #tpu.memory_space<hbm>>
    tpu.wait_indirect_dma semaphore(%arg16 : memref<!tpu.dma_semaphore, #tpu.memory_space<semaphore_mem>>) src(%dma_wait3A_1020 : memref<100000x128xf32, #tpu.memory_space<hbm>>) dst(%arg8 : memref<104x128xf32, #tpu.memory_space<vmem>>)
    %add3A_1021 = arith.constant 12584 : i32
    %add3A_1022 = arith.addi %mul3A_2, %add3A_1021 : i32
    %dma_start3A_1023 = arith.constant 0 : i32
    %dma_start3A_1024 = tpu.memref_slice %arg4[%add3A_1022, %dma_start3A_1023] : memref<425984x128xf32, #tpu.memory_space<hbm>> -> memref<104x128xf32, #tpu.memory_space<hbm>>
    %dma_start3A_1025 = arith.constant 0 : i32
    %dma_start3A_1026 = tpu.memref_slice %arg4[%add3A_1022, %dma_start3A_1025] : memref<425984x128xf32, #tpu.memory_space<hbm>> -> memref<104x128xf32, #tpu.memory_space<hbm>>
    tpu.enqueue_dma source(%arg8 : memref<104x128xf32, #tpu.memory_space<vmem>>) target(%dma_start3A_1026 : memref<104x128xf32, #tpu.memory_space<hbm>>) target_semaphore(%arg24 : memref<!tpu.dma_semaphore, #tpu.memory_space<semaphore_mem>>)
    %dma_wait3A_1027 = arith.constant 0 : i32
    %dma_wait3A_1028 = tpu.memref_slice %arg4[%mul3A_2, %dma_wait3A_1027] : memref<425984x128xf32, #tpu.memory_space<hbm>> -> memref<104x128xf32, #tpu.memory_space<hbm>>
    %dma_wait3A_1029 = arith.constant 0 : i32
    %dma_wait3A_1030 = tpu.memref_slice %arg4[%mul3A_2, %dma_wait3A_1029] : memref<425984x128xf32, #tpu.memory_space<hbm>> -> memref<104x128xf32, #tpu.memory_space<hbm>>
    tpu.wait_dma2 semaphore(%arg27 : memref<!tpu.dma_semaphore, #tpu.memory_space<semaphore_mem>>) src(%arg11 : memref<104x128xf32, #tpu.memory_space<vmem>>) dst(%dma_wait3A_1030 : memref<104x128xf32, #tpu.memory_space<hbm>>)
    %dma_start3A_1031 = arith.constant 12896 : i32
    %dma_start3A_1032 = tpu.memref_slice %arg5[%dma_start3A_1031] : memref<13312xi32, #tpu.memory_space<vmem>> -> memref<104xi32, #tpu.memory_space<vmem>>
    %dma_start3A_1033 = arith.constant 0 : i32
    %dma_start3A_1034 = arith.constant 0 : i32
    %dma_start3A_1035 = tpu.memref_slice %arg3[%dma_start3A_1033, %dma_start3A_1034] : memref<100000x128xf32, #tpu.memory_space<hbm>> -> memref<100000x128xf32, #tpu.memory_space<hbm>>
    tpu.enqueue_indirect_dma source(%dma_start3A_1035 : memref<100000x128xf32, #tpu.memory_space<hbm>>) target(%arg11 : memref<104x128xf32, #tpu.memory_space<vmem>>) offsets(%dma_start3A_1032 : memref<104xi32, #tpu.memory_space<vmem>>) semaphore(%arg19 : memref<!tpu.dma_semaphore, #tpu.memory_space<semaphore_mem>>)
    %dma_wait3A_1036 = arith.constant 0 : i32
    %dma_wait3A_1037 = tpu.memref_slice %arg5[%dma_wait3A_1036] : memref<13312xi32, #tpu.memory_space<vmem>> -> memref<104xi32, #tpu.memory_space<vmem>>
    %dma_wait3A_1038 = arith.constant 0 : i32
    %dma_wait3A_1039 = arith.constant 0 : i32
    %dma_wait3A_1040 = tpu.memref_slice %arg3[%dma_wait3A_1038, %dma_wait3A_1039] : memref<100000x128xf32, #tpu.memory_space<hbm>> -> memref<100000x128xf32, #tpu.memory_space<hbm>>
    tpu.wait_indirect_dma semaphore(%arg17 : memref<!tpu.dma_semaphore, #tpu.memory_space<semaphore_mem>>) src(%dma_wait3A_1040 : memref<100000x128xf32, #tpu.memory_space<hbm>>) dst(%arg9 : memref<104x128xf32, #tpu.memory_space<vmem>>)
    %add3A_1041 = arith.constant 12688 : i32
    %add3A_1042 = arith.addi %mul3A_2, %add3A_1041 : i32
    %dma_start3A_1043 = arith.constant 0 : i32
    %dma_start3A_1044 = tpu.memref_slice %arg4[%add3A_1042, %dma_start3A_1043] : memref<425984x128xf32, #tpu.memory_space<hbm>> -> memref<104x128xf32, #tpu.memory_space<hbm>>
    %dma_start3A_1045 = arith.constant 0 : i32
    %dma_start3A_1046 = tpu.memref_slice %arg4[%add3A_1042, %dma_start3A_1045] : memref<425984x128xf32, #tpu.memory_space<hbm>> -> memref<104x128xf32, #tpu.memory_space<hbm>>
    tpu.enqueue_dma source(%arg9 : memref<104x128xf32, #tpu.memory_space<vmem>>) target(%dma_start3A_1046 : memref<104x128xf32, #tpu.memory_space<hbm>>) target_semaphore(%arg25 : memref<!tpu.dma_semaphore, #tpu.memory_space<semaphore_mem>>)
    %dma_wait3A_1047 = arith.constant 0 : i32
    %dma_wait3A_1048 = tpu.memref_slice %arg4[%mul3A_2, %dma_wait3A_1047] : memref<425984x128xf32, #tpu.memory_space<hbm>> -> memref<104x128xf32, #tpu.memory_space<hbm>>
    %dma_wait3A_1049 = arith.constant 0 : i32
    %dma_wait3A_1050 = tpu.memref_slice %arg4[%mul3A_2, %dma_wait3A_1049] : memref<425984x128xf32, #tpu.memory_space<hbm>> -> memref<104x128xf32, #tpu.memory_space<hbm>>
    tpu.wait_dma2 semaphore(%arg28 : memref<!tpu.dma_semaphore, #tpu.memory_space<semaphore_mem>>) src(%arg12 : memref<104x128xf32, #tpu.memory_space<vmem>>) dst(%dma_wait3A_1050 : memref<104x128xf32, #tpu.memory_space<hbm>>)
    %dma_start3A_1051 = arith.constant 13000 : i32
    %dma_start3A_1052 = tpu.memref_slice %arg5[%dma_start3A_1051] : memref<13312xi32, #tpu.memory_space<vmem>> -> memref<104xi32, #tpu.memory_space<vmem>>
    %dma_start3A_1053 = arith.constant 0 : i32
    %dma_start3A_1054 = arith.constant 0 : i32
    %dma_start3A_1055 = tpu.memref_slice %arg3[%dma_start3A_1053, %dma_start3A_1054] : memref<100000x128xf32, #tpu.memory_space<hbm>> -> memref<100000x128xf32, #tpu.memory_space<hbm>>
    tpu.enqueue_indirect_dma source(%dma_start3A_1055 : memref<100000x128xf32, #tpu.memory_space<hbm>>) target(%arg12 : memref<104x128xf32, #tpu.memory_space<vmem>>) offsets(%dma_start3A_1052 : memref<104xi32, #tpu.memory_space<vmem>>) semaphore(%arg20 : memref<!tpu.dma_semaphore, #tpu.memory_space<semaphore_mem>>)
    %dma_wait3A_1056 = arith.constant 0 : i32
    %dma_wait3A_1057 = tpu.memref_slice %arg5[%dma_wait3A_1056] : memref<13312xi32, #tpu.memory_space<vmem>> -> memref<104xi32, #tpu.memory_space<vmem>>
    %dma_wait3A_1058 = arith.constant 0 : i32
    %dma_wait3A_1059 = arith.constant 0 : i32
    %dma_wait3A_1060 = tpu.memref_slice %arg3[%dma_wait3A_1058, %dma_wait3A_1059] : memref<100000x128xf32, #tpu.memory_space<hbm>> -> memref<100000x128xf32, #tpu.memory_space<hbm>>
    tpu.wait_indirect_dma semaphore(%arg18 : memref<!tpu.dma_semaphore, #tpu.memory_space<semaphore_mem>>) src(%dma_wait3A_1060 : memref<100000x128xf32, #tpu.memory_space<hbm>>) dst(%arg10 : memref<104x128xf32, #tpu.memory_space<vmem>>)
    %add3A_1061 = arith.constant 12792 : i32
    %add3A_1062 = arith.addi %mul3A_2, %add3A_1061 : i32
    %dma_start3A_1063 = arith.constant 0 : i32
    %dma_start3A_1064 = tpu.memref_slice %arg4[%add3A_1062, %dma_start3A_1063] : memref<425984x128xf32, #tpu.memory_space<hbm>> -> memref<104x128xf32, #tpu.memory_space<hbm>>
    %dma_start3A_1065 = arith.constant 0 : i32
    %dma_start3A_1066 = tpu.memref_slice %arg4[%add3A_1062, %dma_start3A_1065] : memref<425984x128xf32, #tpu.memory_space<hbm>> -> memref<104x128xf32, #tpu.memory_space<hbm>>
    tpu.enqueue_dma source(%arg10 : memref<104x128xf32, #tpu.memory_space<vmem>>) target(%dma_start3A_1066 : memref<104x128xf32, #tpu.memory_space<hbm>>) target_semaphore(%arg26 : memref<!tpu.dma_semaphore, #tpu.memory_space<semaphore_mem>>)
    %dma_wait3A_1067 = arith.constant 0 : i32
    %dma_wait3A_1068 = tpu.memref_slice %arg4[%mul3A_2, %dma_wait3A_1067] : memref<425984x128xf32, #tpu.memory_space<hbm>> -> memref<104x128xf32, #tpu.memory_space<hbm>>
    %dma_wait3A_1069 = arith.constant 0 : i32
    %dma_wait3A_1070 = tpu.memref_slice %arg4[%mul3A_2, %dma_wait3A_1069] : memref<425984x128xf32, #tpu.memory_space<hbm>> -> memref<104x128xf32, #tpu.memory_space<hbm>>
    tpu.wait_dma2 semaphore(%arg29 : memref<!tpu.dma_semaphore, #tpu.memory_space<semaphore_mem>>) src(%arg13 : memref<104x128xf32, #tpu.memory_space<vmem>>) dst(%dma_wait3A_1070 : memref<104x128xf32, #tpu.memory_space<hbm>>)
    %dma_start3A_1071 = arith.constant 13104 : i32
    %dma_start3A_1072 = tpu.memref_slice %arg5[%dma_start3A_1071] : memref<13312xi32, #tpu.memory_space<vmem>> -> memref<104xi32, #tpu.memory_space<vmem>>
    %dma_start3A_1073 = arith.constant 0 : i32
    %dma_start3A_1074 = arith.constant 0 : i32
    %dma_start3A_1075 = tpu.memref_slice %arg3[%dma_start3A_1073, %dma_start3A_1074] : memref<100000x128xf32, #tpu.memory_space<hbm>> -> memref<100000x128xf32, #tpu.memory_space<hbm>>
    tpu.enqueue_indirect_dma source(%dma_start3A_1075 : memref<100000x128xf32, #tpu.memory_space<hbm>>) target(%arg13 : memref<104x128xf32, #tpu.memory_space<vmem>>) offsets(%dma_start3A_1072 : memref<104xi32, #tpu.memory_space<vmem>>) semaphore(%arg21 : memref<!tpu.dma_semaphore, #tpu.memory_space<semaphore_mem>>)
    %dma_wait3A_1076 = arith.constant 0 : i32
    %dma_wait3A_1077 = tpu.memref_slice %arg5[%dma_wait3A_1076] : memref<13312xi32, #tpu.memory_space<vmem>> -> memref<104xi32, #tpu.memory_space<vmem>>
    %dma_wait3A_1078 = arith.constant 0 : i32
    %dma_wait3A_1079 = arith.constant 0 : i32
    %dma_wait3A_1080 = tpu.memref_slice %arg3[%dma_wait3A_1078, %dma_wait3A_1079] : memref<100000x128xf32, #tpu.memory_space<hbm>> -> memref<100000x128xf32, #tpu.memory_space<hbm>>
    tpu.wait_indirect_dma semaphore(%arg19 : memref<!tpu.dma_semaphore, #tpu.memory_space<semaphore_mem>>) src(%dma_wait3A_1080 : memref<100000x128xf32, #tpu.memory_space<hbm>>) dst(%arg11 : memref<104x128xf32, #tpu.memory_space<vmem>>)
    %add3A_1081 = arith.constant 12896 : i32
    %add3A_1082 = arith.addi %mul3A_2, %add3A_1081 : i32
    %dma_start3A_1083 = arith.constant 0 : i32
    %dma_start3A_1084 = tpu.memref_slice %arg4[%add3A_1082, %dma_start3A_1083] : memref<425984x128xf32, #tpu.memory_space<hbm>> -> memref<104x128xf32, #tpu.memory_space<hbm>>
    %dma_start3A_1085 = arith.constant 0 : i32
    %dma_start3A_1086 = tpu.memref_slice %arg4[%add3A_1082, %dma_start3A_1085] : memref<425984x128xf32, #tpu.memory_space<hbm>> -> memref<104x128xf32, #tpu.memory_space<hbm>>
    tpu.enqueue_dma source(%arg11 : memref<104x128xf32, #tpu.memory_space<vmem>>) target(%dma_start3A_1086 : memref<104x128xf32, #tpu.memory_space<hbm>>) target_semaphore(%arg27 : memref<!tpu.dma_semaphore, #tpu.memory_space<semaphore_mem>>)
    %dma_wait3A_1087 = arith.constant 0 : i32
    %dma_wait3A_1088 = tpu.memref_slice %arg4[%mul3A_2, %dma_wait3A_1087] : memref<425984x128xf32, #tpu.memory_space<hbm>> -> memref<104x128xf32, #tpu.memory_space<hbm>>
    %dma_wait3A_1089 = arith.constant 0 : i32
    %dma_wait3A_1090 = tpu.memref_slice %arg4[%mul3A_2, %dma_wait3A_1089] : memref<425984x128xf32, #tpu.memory_space<hbm>> -> memref<104x128xf32, #tpu.memory_space<hbm>>
    tpu.wait_dma2 semaphore(%arg30 : memref<!tpu.dma_semaphore, #tpu.memory_space<semaphore_mem>>) src(%arg14 : memref<104x128xf32, #tpu.memory_space<vmem>>) dst(%dma_wait3A_1090 : memref<104x128xf32, #tpu.memory_space<hbm>>)
    %dma_start3A_1091 = arith.constant 13208 : i32
    %dma_start3A_1092 = tpu.memref_slice %arg5[%dma_start3A_1091] : memref<13312xi32, #tpu.memory_space<vmem>> -> memref<104xi32, #tpu.memory_space<vmem>>
    %dma_start3A_1093 = arith.constant 0 : i32
    %dma_start3A_1094 = arith.constant 0 : i32
    %dma_start3A_1095 = tpu.memref_slice %arg3[%dma_start3A_1093, %dma_start3A_1094] : memref<100000x128xf32, #tpu.memory_space<hbm>> -> memref<100000x128xf32, #tpu.memory_space<hbm>>
    tpu.enqueue_indirect_dma source(%dma_start3A_1095 : memref<100000x128xf32, #tpu.memory_space<hbm>>) target(%arg14 : memref<104x128xf32, #tpu.memory_space<vmem>>) offsets(%dma_start3A_1092 : memref<104xi32, #tpu.memory_space<vmem>>) semaphore(%arg22 : memref<!tpu.dma_semaphore, #tpu.memory_space<semaphore_mem>>)
    %dma_wait3A_1096 = arith.constant 0 : i32
    %dma_wait3A_1097 = tpu.memref_slice %arg5[%dma_wait3A_1096] : memref<13312xi32, #tpu.memory_space<vmem>> -> memref<104xi32, #tpu.memory_space<vmem>>
    %dma_wait3A_1098 = arith.constant 0 : i32
    %dma_wait3A_1099 = arith.constant 0 : i32
    %dma_wait3A_1100 = tpu.memref_slice %arg3[%dma_wait3A_1098, %dma_wait3A_1099] : memref<100000x128xf32, #tpu.memory_space<hbm>> -> memref<100000x128xf32, #tpu.memory_space<hbm>>
    tpu.wait_indirect_dma semaphore(%arg20 : memref<!tpu.dma_semaphore, #tpu.memory_space<semaphore_mem>>) src(%dma_wait3A_1100 : memref<100000x128xf32, #tpu.memory_space<hbm>>) dst(%arg12 : memref<104x128xf32, #tpu.memory_space<vmem>>)
    %add3A_1101 = arith.constant 13000 : i32
    %add3A_1102 = arith.addi %mul3A_2, %add3A_1101 : i32
    %dma_start3A_1103 = arith.constant 0 : i32
    %dma_start3A_1104 = tpu.memref_slice %arg4[%add3A_1102, %dma_start3A_1103] : memref<425984x128xf32, #tpu.memory_space<hbm>> -> memref<104x128xf32, #tpu.memory_space<hbm>>
    %dma_start3A_1105 = arith.constant 0 : i32
    %dma_start3A_1106 = tpu.memref_slice %arg4[%add3A_1102, %dma_start3A_1105] : memref<425984x128xf32, #tpu.memory_space<hbm>> -> memref<104x128xf32, #tpu.memory_space<hbm>>
    tpu.enqueue_dma source(%arg12 : memref<104x128xf32, #tpu.memory_space<vmem>>) target(%dma_start3A_1106 : memref<104x128xf32, #tpu.memory_space<hbm>>) target_semaphore(%arg28 : memref<!tpu.dma_semaphore, #tpu.memory_space<semaphore_mem>>)
    %dma_wait3A_1107 = arith.constant 0 : i32
    %dma_wait3A_1108 = tpu.memref_slice %arg5[%dma_wait3A_1107] : memref<13312xi32, #tpu.memory_space<vmem>> -> memref<104xi32, #tpu.memory_space<vmem>>
    %dma_wait3A_1109 = arith.constant 0 : i32
    %dma_wait3A_1110 = arith.constant 0 : i32
    %dma_wait3A_1111 = tpu.memref_slice %arg3[%dma_wait3A_1109, %dma_wait3A_1110] : memref<100000x128xf32, #tpu.memory_space<hbm>> -> memref<100000x128xf32, #tpu.memory_space<hbm>>
    tpu.wait_indirect_dma semaphore(%arg21 : memref<!tpu.dma_semaphore, #tpu.memory_space<semaphore_mem>>) src(%dma_wait3A_1111 : memref<100000x128xf32, #tpu.memory_space<hbm>>) dst(%arg13 : memref<104x128xf32, #tpu.memory_space<vmem>>)
    %add3A_1112 = arith.constant 13104 : i32
    %add3A_1113 = arith.addi %mul3A_2, %add3A_1112 : i32
    %dma_start3A_1114 = arith.constant 0 : i32
    %dma_start3A_1115 = tpu.memref_slice %arg4[%add3A_1113, %dma_start3A_1114] : memref<425984x128xf32, #tpu.memory_space<hbm>> -> memref<104x128xf32, #tpu.memory_space<hbm>>
    %dma_start3A_1116 = arith.constant 0 : i32
    %dma_start3A_1117 = tpu.memref_slice %arg4[%add3A_1113, %dma_start3A_1116] : memref<425984x128xf32, #tpu.memory_space<hbm>> -> memref<104x128xf32, #tpu.memory_space<hbm>>
    tpu.enqueue_dma source(%arg13 : memref<104x128xf32, #tpu.memory_space<vmem>>) target(%dma_start3A_1117 : memref<104x128xf32, #tpu.memory_space<hbm>>) target_semaphore(%arg29 : memref<!tpu.dma_semaphore, #tpu.memory_space<semaphore_mem>>)
    %dma_wait3A_1118 = arith.constant 0 : i32
    %dma_wait3A_1119 = tpu.memref_slice %arg5[%dma_wait3A_1118] : memref<13312xi32, #tpu.memory_space<vmem>> -> memref<104xi32, #tpu.memory_space<vmem>>
    %dma_wait3A_1120 = arith.constant 0 : i32
    %dma_wait3A_1121 = arith.constant 0 : i32
    %dma_wait3A_1122 = tpu.memref_slice %arg3[%dma_wait3A_1120, %dma_wait3A_1121] : memref<100000x128xf32, #tpu.memory_space<hbm>> -> memref<100000x128xf32, #tpu.memory_space<hbm>>
    tpu.wait_indirect_dma semaphore(%arg22 : memref<!tpu.dma_semaphore, #tpu.memory_space<semaphore_mem>>) src(%dma_wait3A_1122 : memref<100000x128xf32, #tpu.memory_space<hbm>>) dst(%arg14 : memref<104x128xf32, #tpu.memory_space<vmem>>)
    %add3A_1123 = arith.constant 13208 : i32
    %add3A_1124 = arith.addi %mul3A_2, %add3A_1123 : i32
    %dma_start3A_1125 = arith.constant 0 : i32
    %dma_start3A_1126 = tpu.memref_slice %arg4[%add3A_1124, %dma_start3A_1125] : memref<425984x128xf32, #tpu.memory_space<hbm>> -> memref<104x128xf32, #tpu.memory_space<hbm>>
    %dma_start3A_1127 = arith.constant 0 : i32
    %dma_start3A_1128 = tpu.memref_slice %arg4[%add3A_1124, %dma_start3A_1127] : memref<425984x128xf32, #tpu.memory_space<hbm>> -> memref<104x128xf32, #tpu.memory_space<hbm>>
    tpu.enqueue_dma source(%arg14 : memref<104x128xf32, #tpu.memory_space<vmem>>) target(%dma_start3A_1128 : memref<104x128xf32, #tpu.memory_space<hbm>>) target_semaphore(%arg30 : memref<!tpu.dma_semaphore, #tpu.memory_space<semaphore_mem>>)
    %dma_wait3A_1129 = arith.constant 0 : i32
    %dma_wait3A_1130 = tpu.memref_slice %arg4[%mul3A_2, %dma_wait3A_1129] : memref<425984x128xf32, #tpu.memory_space<hbm>> -> memref<104x128xf32, #tpu.memory_space<hbm>>
    %dma_wait3A_1131 = arith.constant 0 : i32
    %dma_wait3A_1132 = tpu.memref_slice %arg4[%mul3A_2, %dma_wait3A_1131] : memref<425984x128xf32, #tpu.memory_space<hbm>> -> memref<104x128xf32, #tpu.memory_space<hbm>>
    tpu.wait_dma2 semaphore(%arg23 : memref<!tpu.dma_semaphore, #tpu.memory_space<semaphore_mem>>) src(%arg7 : memref<104x128xf32, #tpu.memory_space<vmem>>) dst(%dma_wait3A_1132 : memref<104x128xf32, #tpu.memory_space<hbm>>)
    %dma_wait3A_1133 = arith.constant 0 : i32
    %dma_wait3A_1134 = tpu.memref_slice %arg4[%mul3A_2, %dma_wait3A_1133] : memref<425984x128xf32, #tpu.memory_space<hbm>> -> memref<104x128xf32, #tpu.memory_space<hbm>>
    %dma_wait3A_1135 = arith.constant 0 : i32
    %dma_wait3A_1136 = tpu.memref_slice %arg4[%mul3A_2, %dma_wait3A_1135] : memref<425984x128xf32, #tpu.memory_space<hbm>> -> memref<104x128xf32, #tpu.memory_space<hbm>>
    tpu.wait_dma2 semaphore(%arg24 : memref<!tpu.dma_semaphore, #tpu.memory_space<semaphore_mem>>) src(%arg8 : memref<104x128xf32, #tpu.memory_space<vmem>>) dst(%dma_wait3A_1136 : memref<104x128xf32, #tpu.memory_space<hbm>>)
    %dma_wait3A_1137 = arith.constant 0 : i32
    %dma_wait3A_1138 = tpu.memref_slice %arg4[%mul3A_2, %dma_wait3A_1137] : memref<425984x128xf32, #tpu.memory_space<hbm>> -> memref<104x128xf32, #tpu.memory_space<hbm>>
    %dma_wait3A_1139 = arith.constant 0 : i32
    %dma_wait3A_1140 = tpu.memref_slice %arg4[%mul3A_2, %dma_wait3A_1139] : memref<425984x128xf32, #tpu.memory_space<hbm>> -> memref<104x128xf32, #tpu.memory_space<hbm>>
    tpu.wait_dma2 semaphore(%arg25 : memref<!tpu.dma_semaphore, #tpu.memory_space<semaphore_mem>>) src(%arg9 : memref<104x128xf32, #tpu.memory_space<vmem>>) dst(%dma_wait3A_1140 : memref<104x128xf32, #tpu.memory_space<hbm>>)
    %dma_wait3A_1141 = arith.constant 0 : i32
    %dma_wait3A_1142 = tpu.memref_slice %arg4[%mul3A_2, %dma_wait3A_1141] : memref<425984x128xf32, #tpu.memory_space<hbm>> -> memref<104x128xf32, #tpu.memory_space<hbm>>
    %dma_wait3A_1143 = arith.constant 0 : i32
    %dma_wait3A_1144 = tpu.memref_slice %arg4[%mul3A_2, %dma_wait3A_1143] : memref<425984x128xf32, #tpu.memory_space<hbm>> -> memref<104x128xf32, #tpu.memory_space<hbm>>
    tpu.wait_dma2 semaphore(%arg26 : memref<!tpu.dma_semaphore, #tpu.memory_space<semaphore_mem>>) src(%arg10 : memref<104x128xf32, #tpu.memory_space<vmem>>) dst(%dma_wait3A_1144 : memref<104x128xf32, #tpu.memory_space<hbm>>)
    %dma_wait3A_1145 = arith.constant 0 : i32
    %dma_wait3A_1146 = tpu.memref_slice %arg4[%mul3A_2, %dma_wait3A_1145] : memref<425984x128xf32, #tpu.memory_space<hbm>> -> memref<104x128xf32, #tpu.memory_space<hbm>>
    %dma_wait3A_1147 = arith.constant 0 : i32
    %dma_wait3A_1148 = tpu.memref_slice %arg4[%mul3A_2, %dma_wait3A_1147] : memref<425984x128xf32, #tpu.memory_space<hbm>> -> memref<104x128xf32, #tpu.memory_space<hbm>>
    tpu.wait_dma2 semaphore(%arg27 : memref<!tpu.dma_semaphore, #tpu.memory_space<semaphore_mem>>) src(%arg11 : memref<104x128xf32, #tpu.memory_space<vmem>>) dst(%dma_wait3A_1148 : memref<104x128xf32, #tpu.memory_space<hbm>>)
    %dma_wait3A_1149 = arith.constant 0 : i32
    %dma_wait3A_1150 = tpu.memref_slice %arg4[%mul3A_2, %dma_wait3A_1149] : memref<425984x128xf32, #tpu.memory_space<hbm>> -> memref<104x128xf32, #tpu.memory_space<hbm>>
    %dma_wait3A_1151 = arith.constant 0 : i32
    %dma_wait3A_1152 = tpu.memref_slice %arg4[%mul3A_2, %dma_wait3A_1151] : memref<425984x128xf32, #tpu.memory_space<hbm>> -> memref<104x128xf32, #tpu.memory_space<hbm>>
    tpu.wait_dma2 semaphore(%arg28 : memref<!tpu.dma_semaphore, #tpu.memory_space<semaphore_mem>>) src(%arg12 : memref<104x128xf32, #tpu.memory_space<vmem>>) dst(%dma_wait3A_1152 : memref<104x128xf32, #tpu.memory_space<hbm>>)
    %dma_wait3A_1153 = arith.constant 0 : i32
    %dma_wait3A_1154 = tpu.memref_slice %arg4[%mul3A_2, %dma_wait3A_1153] : memref<425984x128xf32, #tpu.memory_space<hbm>> -> memref<104x128xf32, #tpu.memory_space<hbm>>
    %dma_wait3A_1155 = arith.constant 0 : i32
    %dma_wait3A_1156 = tpu.memref_slice %arg4[%mul3A_2, %dma_wait3A_1155] : memref<425984x128xf32, #tpu.memory_space<hbm>> -> memref<104x128xf32, #tpu.memory_space<hbm>>
    tpu.wait_dma2 semaphore(%arg29 : memref<!tpu.dma_semaphore, #tpu.memory_space<semaphore_mem>>) src(%arg13 : memref<104x128xf32, #tpu.memory_space<vmem>>) dst(%dma_wait3A_1156 : memref<104x128xf32, #tpu.memory_space<hbm>>)
    %dma_wait3A_1157 = arith.constant 0 : i32
    %dma_wait3A_1158 = tpu.memref_slice %arg4[%mul3A_2, %dma_wait3A_1157] : memref<425984x128xf32, #tpu.memory_space<hbm>> -> memref<104x128xf32, #tpu.memory_space<hbm>>
    %dma_wait3A_1159 = arith.constant 0 : i32
    %dma_wait3A_1160 = tpu.memref_slice %arg4[%mul3A_2, %dma_wait3A_1159] : memref<425984x128xf32, #tpu.memory_space<hbm>> -> memref<104x128xf32, #tpu.memory_space<hbm>>
    tpu.wait_dma2 semaphore(%arg30 : memref<!tpu.dma_semaphore, #tpu.memory_space<semaphore_mem>>) src(%arg14 : memref<104x128xf32, #tpu.memory_space<vmem>>) dst(%dma_wait3A_1160 : memref<104x128xf32, #tpu.memory_space<hbm>>)
    return
  }
}

</mosaic_0001>

<sc_bundles>
// kernel: kernel.3.cloned.1.call-start
scs
__scs_entry_jumppad:
0x0: {  	(pc) =	sbr.rel $0x88, $3  }
0x1: {  	(tag) =	ssettag $0x0;
	lr =	simm.s32 $0x1  }
0x2: {  	[smem:$0x3F9F] =	sst lr;
	_ =	strace $0xD0000000  }
0x3: {  	_ = 	snop  }
0x4: {  	_ = 	snop  }
0x5: {  	_ = 	snop  }
0x6: {  	_ = 	snop  }
0x7: {  	_ = 	snop  }
__scs_overlays_trampoline_lowered:
0x8: {  	[smem:$0x3FAE] =	sst s0  }
0x9: {  	[smem:$0x3FAF] =	sst s1  }
0xa: {  	[smem:$0x3FB0] =	sst s2  }
0xb: {  	[smem:$0x3FB1] =	sst s3  }
0xc: {  	[smem:$0x3FB2] =	sst s4  }
0xd: {  	[smem:$0x3FB3] =	sst s5  }
0xe: {  	[smem:$0x3FB4] =	sst s6  }
0xf: {  	[smem:$0x3FB5] =	sst s7  }
0x10: {  	[smem:$0x3FB6] =	sst s8  }
0x11: {  	[smem:$0x3FB7] =	sst s9;
	s0 =	simm.s32 @!p0 $0x0  }
0x12: {  	s1 =	sld [smem:$0x3F9D];
	s0 =	simm.s32 @p0 $0x1  }
0x13: {  	[smem:$0x3FB8] =	sst s0;
	s0 =	simm.s32 @!p1 $0x0  }
0x14: {  	s2 =	sld [smem:$0x3F9C];
	s0 =	simm.s32 @p1 $0x1  }
0x15: {  	[smem:$0x3FB9] =	sst s0;
	s0 =	simm.s32 @!p2 $0x0  }
0x16: {  	s3 =	sld [smem:$0x3FDB];
	s0 =	simm.s32 @p2 $0x1  }
0x17: {  	s4 =	simm.s32 $0x1BF5;
	[smem:$0x3FBB] =	sst s0  }
0x18: {  	s0 =	sld [smem:$0x3F9E];
	_ =	swait.ge [sflag:s4], $0x0  }
0x19: {  	s7 =	sld [smem:$0x3F9F]  }
0x1a: {  	s8 =	sadd.s32 $0xFFFFE003, lr  }
0x1b: {  	s9 =	sadd.s32 $0xFFFFFEF7, lr;
	s5 =	simm.s32 $0xFFFFFFFF;
	p2 =	slt.u32 s8, $0xFFFFF086  }
0x1c: {  	p1 =	slt.u32 s9, $0xF7A;
	s5 =	simm.s32 @!p2 $0x0  }
0x1d: {  	s5 =	simm.s32 @p1 $0x1;
	p0 =	seq.s32 s7, s2  }
0x1e: {  	s7 =	smul.u32 @!p0 $0xF7A, s2;
	p2 =	seq.s32 @!p0 s5, $0x0  }
0x1f: {  	s9 =	smul.u32 $0xF7A, s1;
	s8 =	simm.s32 @!p0 $0x1BF5;
	p2 =	por !p2, p0  }
0x20: {  	[sflag:s8] =	ssyncset.s32 @!p0 $0xFFFFF086;
	s6 =	sadd.s32 @!p0 s3, s7;
	s7 =	simm.s32 @!p0 $0x108  }
0x21: {  	s3 =	sadd.s32 s3, s9;
	s6 =	sadd.s32 @!p0 $0x88, s6;
	s7 =	simm.s32 @p2 $0x1082  }
0x22: {  	[simem:s7], [sflag:s8] =	dma.local @!p0 [hbm:s6], $0xF7A  }
0x23: {  	s9 =	sor.u32 $0xD0000000, s2;
	s6 =	simm.s32 $0x108;
	_ =	swait.ge @!p0 [sflag:s8], $0x0  }
0x24: {  	s3 =	sadd.s32 $0x88, s3;
	s6 =	simm.s32 @!p1 $0x1082;
	[sflag:s4] =	ssyncset.s32 $0xFFFFF086  }
0x25: {  	[simem:s6], [sflag:s4] =	dma.local [hbm:s3], $0xF7A  }
0x26: {  	[smem:$0x3F9F] =	sst s1;
	(tag) =	ssettag s2;
	_ =	strace s9  }
0x27: {  	s1 =	sld [smem:$0x3FAF]  }
0x28: {  	s2 =	sld [smem:$0x3FB0]  }
0x29: {  	s4 =	sld [smem:$0x3FB2]  }
0x2a: {  	p0 =	seq.s32 s5, $0x0;
	s5 =	sld [smem:$0x3FB3]  }
0x2b: {  	s6 =	sld [smem:$0x3FB4]  }
0x2c: {  	s7 =	sld [smem:$0x3FB5]  }
0x2d: {  	s3 =	simm.s32 $0x108;
	s8 =	sld [smem:$0x3FB6]  }
0x2e: {  	s3 =	simm.s32 @!p0 $0x1082;
	s9 =	sld [smem:$0x3FB7]  }
0x2f: {  	lr =	sadd.s32 s0, s3;
	s0 =	sld [smem:$0x3FAE]  }
0x30: {  	s3 =	sld [smem:$0x3FB1]  }
0x31: {  	[smem:$0x3FBA] =	sst s10  }
0x32: {  	s10 =	sld [smem:$0x3FB8];
	_ =	sdelay $0x3  }
0x33: {  	p0 =	seq.s32 s10, $0x1;
	s10 =	sld [smem:$0x3FBA];
	_ =	sdelay $0x3  }
0x34: {  	[smem:$0x3FBA] =	sst s10  }
0x35: {  	s10 =	sld [smem:$0x3FB9];
	_ =	sdelay $0x3  }
0x36: {  	p1 =	seq.s32 s10, $0x1;
	s10 =	sld [smem:$0x3FBA];
	_ =	sdelay $0x3  }
0x37: {  	[smem:$0x3FBA] =	sst s10  }
0x38: {  	s10 =	sld [smem:$0x3FBB]  }
0x39: {  	_ = 	snop;
	(pc) =	sbr.ind lr, $3  }
0x3a: {  	_ = 	snop  }
0x3b: {  	_ = 	snop  }
0x3c: {  	p2 =	seq.s32 s10, $0x1;
	s10 =	sld [smem:$0x3FBA]  }
0x3d: {  	_ =	shalt  }
0x3e: {  	_ =	shalt  }
0x3f: {  	_ =	shalt  }
0x40: {  	_ =	shalt  }
0x41: {  	_ =	shalt  }
0x42: {  	_ =	shalt  }
0x43: {  	_ =	shalt  }
0x44: {  	_ =	shalt  }
0x45: {  	_ =	shalt  }
0x46: {  	_ =	shalt  }
0x47: {  	_ =	shalt  }
0x48: {  	_ =	shalt  }
0x49: {  	_ =	shalt  }
0x4a: {  	_ =	shalt  }
0x4b: {  	_ =	shalt  }
0x4c: {  	_ =	shalt  }
0x4d: {  	_ =	shalt  }
0x4e: {  	_ =	shalt  }
0x4f: {  	_ =	shalt  }
0x50: {  	_ =	shalt  }
0x51: {  	_ =	shalt  }
0x52: {  	_ =	shalt  }
0x53: {  	_ =	shalt  }
0x54: {  	_ =	shalt  }
0x55: {  	_ =	shalt  }
0x56: {  	_ =	shalt  }
0x57: {  	_ =	shalt  }
0x58: {  	_ =	shalt  }
0x59: {  	_ =	shalt  }
0x5a: {  	_ =	shalt  }
0x5b: {  	_ =	shalt  }
0x5c: {  	_ =	shalt  }
0x5d: {  	_ =	shalt  }
0x5e: {  	_ =	shalt  }
0x5f: {  	_ =	shalt  }
0x60: {  	_ =	shalt  }
0x61: {  	_ =	shalt  }
0x62: {  	_ =	shalt  }
0x63: {  	_ =	shalt  }
0x64: {  	_ =	shalt  }
0x65: {  	_ =	shalt  }
0x66: {  	_ =	shalt  }
0x67: {  	_ =	shalt  }
0x68: {  	_ =	shalt  }
0x69: {  	_ =	shalt  }
0x6a: {  	_ =	shalt  }
0x6b: {  	_ =	shalt  }
0x6c: {  	_ =	shalt  }
0x6d: {  	_ =	shalt  }
0x6e: {  	_ =	shalt  }
0x6f: {  	_ =	shalt  }
0x70: {  	_ =	shalt  }
0x71: {  	_ =	shalt  }
0x72: {  	_ =	shalt  }
0x73: {  	_ =	shalt  }
0x74: {  	_ =	shalt  }
0x75: {  	_ =	shalt  }
0x76: {  	_ =	shalt  }
0x77: {  	_ =	shalt  }
0x78: {  	_ =	shalt  }
0x79: {  	_ =	shalt  }
0x7a: {  	_ =	shalt  }
0x7b: {  	_ =	shalt  }
0x7c: {  	_ =	shalt  }
0x7d: {  	_ =	shalt  }
0x7e: {  	_ =	shalt  }
0x7f: {  	_ =	shalt  }
0x80: {  	_ =	shalt  }
0x81: {  	_ =	shalt  }
0x82: {  	_ =	shalt  }
0x83: {  	_ =	shalt  }
0x84: {  	_ =	shalt  }
0x85: {  	_ =	shalt  }
0x86: {  	_ =	shalt  }
0x87: {  	_ =	shalt  }
.Lfunc_end0:
.L_simem_size_0:
called_computation_lowered:
.L_overlay_start_0:
0x88: {  	s2 =	sld [smem:$0x3FD9]  }
0x89: {  	s3 =	sld [smem:$0x3FFE];
	_ =	sdelay $0x1  }
0x8a: {  	s1 =	srdreg.scid  }
0x8b: {  	s0 =	sand.u32 $0x1, s1  }
0x8c: {  	s18 =	sshll.u32 s0, $0xA;
	s2 =	sadd.s32 s3, s2  }
0x8d: {  	s2 =	sadd.s32 s2, s18  }
0x8e: {  	[smem:$0x3FC6] =	sst s2  }
0x8f: {  	_ = 	snop  }
0x90: {  	s2 =	sld [smem:$0x3FC9]  }
0x91: {  	s19 =	sld [smem:$0x3FC8]  }
0x92: {  	s4 =	sld [smem:$0x3FD0];
	(tm) =	ssettm $0x1  }
0x93: {  	s5 =	sld [smem:$0x3FFB];
	_ =	sdelay $0x3  }
0x94: {  	_ =	strace s5  }
0x95: {  	s5 =	sld [smem:$0x3FFC];
	_ =	sdelay $0x3  }
0x96: {  	_ =	strace s5  }
0x97: {  	s5 =	sld [smem:$0x3FFD];
	_ =	sdelay $0x3  }
0x98: {  	_ =	strace s5  }
0x99: {  	_ =	strace $0x8FFFFFFF  }
0x9a: {  	s20 =	sld [smem:$0x3FDB];
	_ =	sdelay $0x1  }
0x9b: {  	s6 =	simm.s32 $_scs_section_size  }
0x9c: {  	s7 =	simm.s32 $_size__tile_overlayer_lowered;
	s8 =	simm.s32 $_tile_overlayer_lowered  }
0x9d: {  	s23 =	simm.s32 $0x1BFF;
	s22 =	sshll.u32 s8, $0x1;
	s5 =	sadd.s32 s6, s20  }
0x9e: {  	s9 =	simm.s32 $0x0;
	s21 =	sshll.u32 s7, $0x1;
	s7 =	sadd.s32 s22, s5  }
0x9f: {  	[timem:s9], [sflag:s23] =	dma.local [hbm:s7], s21  }
0xa0: {  	_ =	swait.ge [sflag:s23], s21  }
0xa1: {  	s6 =	ssub.s32 $0x0, s21;
	[sflag:s23] =	ssyncset.done $0x0  }
0xa2: {  	[sflag:s23] =	ssyncadd.s32 s6;
	_ =	sdelay $0x1  }
0xa3: {  	s24 =	simm.s32 $0x1B8B  }
0xa4: {  	_ =	swait.ge [sflag:s24], $0x1  }
0xa5: {  	[sflag:s24] =	ssyncset.done $0x0  }
0xa6: {  	s25 =	simm.s32 $0x1B8E;
	[sflag:s24] =	ssyncadd.s32 $0xFFFFFFFF  }
0xa7: {  	s26 =	simm.s32 $execute0_lowered;
	[smem:$0x3FD2] =	sst s25  }
0xa8: {  	s6 =	sshll.u32 s26, $0x1;
	_ =	strace $0x80000046;
	[dreg:$0x1] =	wrdreg $0xFFFFFFFF  }
0xa9: {  	s28 =	simm.s32 $_size_execute0_lowered;
	s5 =	sadd.s32 s5, s6;
	[dreg:$0x0] =	wrdreg $0x0  }
0xaa: {  	s6 =	sshll.u32 s28, $0x1;
	[dreg:$0x2] =	wrdreg s5  }
0xab: {  	[dreg:$0x3] =	wrdreg s6  }
0xac: {  	[dreg:$0x4] =	wrdreg $0xC0  }
0xad: {  	_ =	task [dreg:s9], $0x5FFFF  }
0xae: {  	[dreg:$0x1] =	wrdreg $0xFFFFFFFF  }
0xaf: {  	[dreg:$0x0] =	wrdreg $0x60  }
0xb0: {  	[dreg:$0x2] =	wrdreg s2  }
0xb1: {  	[dreg:$0x3] =	wrdreg s19  }
0xb2: {  	[dreg:$0x4] =	wrdreg s4  }
0xb3: {  	[dreg:$0x5] =	wrdreg $0x9  }
0xb4: {  	_ =	task.clear_ibuf [dreg:s9], $0x6FFFF;
	_ =	strace $0x90000046  }
0xb5: {  	s29 =	simm.s32 $0x9;
	_ =	strace $0x80000048  }
0xb6: {  	_ =	swait.ge [sflag:s29], $0x1  }
0xb7: {  	[sflag:s29] =	ssyncadd.s32 $0xFFFFFFFF  }
0xb8: {  	_ =	strace $0x90000048  }
0xb9: {  	_ =	sfence  }
0xba: {  	s30 =	sld [smem:$0x0];
	_ =	sdelay $0x2  }
0xbb: {  	s31 =	sshll.u32 s1, $0xD;
	s1 =	sshrl.u32 s1, $0x2  }
0xbc: {  	s3 =	sand.u32 $0x4000, s31;
	s1 =	sadd.s32 s1, s30  }
0xbd: {  	s0 =	sor.u32 s3, s0;
	s1 =	sshll.u32 s1, $0x11  }
0xbe: {  	s0 =	sor.u32 s1, s0  }
0xbf: {  	s0 =	sadd.s32 $0x8F2B, s0  }
0xc0: {  	[sflag:s0] =	ssyncadd.remote.s32 $0x1  }
0xc1: {  	_ =	sfence.sel $0xFFFF  }
0xc2: {  	[dreg:$0x0] =	wrdreg $0xFFFFFFFF;
	(pc) =	sbr.abs _section_cstart, $3  }
0xc3: {  	[dreg:$0x1] =	wrdreg $0xFFFFFFFF  }
0xc4: {  	_ =	task.clear_ibuf [dreg:s9], $0x2FFFF;
	_ =	strace $0x9FFFFFFF  }
0xc5: {  	(tm) =	ssettm $0x7FFFFFFF  }
tec
execute0_lowered:
.L_overlay_start_1:
0x0: {  	(tag) =	ssettag $0x1  }
0x1: {  	s4 =	rddreg [dreg:$0x0]  }
0x2: {  	s0 =	srdreg.scid;
	s13 =	stileid.u32  }
0x3: {  	s2 =	rddreg [dreg:$0x1];
	s1 =	sand.u32 $0x1, s0;
	s3 =	sshll.u32 s13, $0x1  }
0x4: {  	s29 =	simm.s32 $0xB;
	s30 =	simm.s32 $0x9;
	s6 =	sor.u32 s1, s3  }
0x5: {  	s31 =	simm.s32 $0xC;
	s0 =	rddreg [dreg:$0x2];
	s7 =	smul.u32 $0xD, s6  }
0x6: {  	s3 =	simm.s32 $0x0;
	s8 =	ssub.s32 $0x2, s1;
	s5 =	smul.u32 $0x1A000, s6  }
0x7: {  	s1 =	smul.u32 $0x34000, s1;
	[smem:$0x7FF] =	sst s3;
	s11 =	sshrl.u32 s8, $0x1  }
0x8: {  	_ =	strace $0x80000047;
	s9 =	sshll.u32 s7, $0xA;
	s5 =	sand.u32 $0x1E000, s5  }
0x9: {  	s10 =	sshll.u32 s7, $0x3;
	s21 =	sadd.s32 $0x1, s7;
	s26 =	sadd.s32 $0x2, s7  }
0xa: {  	s15 =	sadd.s32 $0x3, s7;
	s9 =	sand.u32 $0x60000, s9;
	s10 =	sand.u32 $0x380, s10  }
0xb: {  	s22 =	sshll.u32 s21, $0x7;
	s23 =	sshll.u32 s21, $0xA;
	s28 =	sshll.u32 s26, $0x7  }
0xc: {  	s12 =	sshll.u32 s26, $0xA;
	s14 =	sand.u32 $0x70, s26;
	s16 =	sshll.u32 s15, $0x7  }
0xd: {  	s17 =	sshll.u32 s15, $0xA;
	s9 =	sor.u32 s5, s9;
	s5 =	ssub.s32 s8, s11  }
0xe: {  	s24 =	sand.u32 $0x1C000, s22;
	s25 =	sand.u32 $0x3C00, s23;
	s11 =	sand.u32 $0x1C000, s28  }
0xf: {  	s12 =	sand.u32 $0x3C00, s12;
	s18 =	sand.u32 $0x1C000, s16;
	s19 =	sand.u32 $0x3C00, s17  }
0x10: {  	s28 =	sadd.s32 $0x5, s7;
	s20 =	sor.u32 s10, s9;
	s9 =	sand.u32 $0x70, s21  }
0x11: {  	s21 =	sadd.s32 $0x4, s7;
	s8 =	sshrl.u32 s20, $0x3;
	s9 =	sadd.s32 s4, s9  }
0x12: {  	s20 =	sand.u32 $0x70, s15;
	s22 =	sshll.u32 s21, $0x7;
	s23 =	sshll.u32 s21, $0xA  }
0x13: {  	s26 =	sand.u32 $0x70, s21;
	s15 =	sshll.u32 s28, $0xA;
	s8 =	sadd.s32 s4, s8  }
0x14: {  	s17 =	sand.u32 $0x3C00, s15;
	[dreg:$0x4] =	wrdreg s8;
	s8 =	sor.u32 s25, s24  }
0x15: {  	s15 =	sadd.s32 $0x8, s7;
	s24 =	sand.u32 $0x1C000, s22;
	s8 =	sadd.s32 s8, s9  }
0x16: {  	s9 =	sadd.s32 s4, s14;
	[dreg:$0x5] =	wrdreg s8;
	s8 =	sor.u32 s12, s11  }
0x17: {  	s25 =	sand.u32 $0x3C00, s23;
	s14 =	sshll.u32 s28, $0x7;
	s8 =	sadd.s32 s8, s9  }
0x18: {  	s16 =	sand.u32 $0x1C000, s14;
	s9 =	sadd.s32 s4, s20;
	[dreg:$0x6] =	wrdreg s8  }
0x19: {  	s8 =	sor.u32 s19, s18;
	s18 =	sand.u32 $0x70, s28;
	s19 =	sadd.s32 $0x6, s7  }
0x1a: {  	s8 =	sadd.s32 s8, s9;
	s9 =	sadd.s32 s4, s26;
	s20 =	sshll.u32 s19, $0x7  }
0x1b: {  	s21 =	sshll.u32 s19, $0xA;
	[dreg:$0x7] =	wrdreg s8;
	s8 =	sor.u32 s25, s24  }
0x1c: {  	s22 =	sand.u32 $0x1C000, s20;
	s23 =	sand.u32 $0x3C00, s21;
	s24 =	sand.u32 $0x70, s19  }
0x1d: {  	s25 =	sadd.s32 $0x7, s7;
	s20 =	sand.u32 $0x70, s15;
	s21 =	sadd.s32 $0x9, s7  }
0x1e: {  	s8 =	sadd.s32 s8, s9;
	s9 =	sadd.s32 s4, s18;
	s26 =	sshll.u32 s25, $0x7  }
0x1f: {  	s28 =	sshll.u32 s25, $0xA;
	s14 =	sand.u32 $0x70, s25;
	[dreg:$0x8] =	wrdreg s8  }
0x20: {  	s8 =	sor.u32 s17, s16;
	s11 =	sand.u32 $0x1C000, s26;
	s12 =	sand.u32 $0x3C00, s28  }
0x21: {  	s16 =	sshll.u32 s15, $0x7;
	s17 =	sshll.u32 s15, $0xA;
	s26 =	sand.u32 $0x70, s21  }
0x22: {  	s28 =	sadd.s32 $0xA, s7;
	s8 =	sadd.s32 s8, s9;
	s9 =	sadd.s32 s4, s24  }
0x23: {  	s18 =	sand.u32 $0x1C000, s16;
	s19 =	sand.u32 $0x3C00, s17;
	s17 =	sand.u32 $0x70, s28  }
0x24: {  	[dreg:$0x9] =	wrdreg s8;
	s8 =	sor.u32 s23, s22;
	s22 =	sshll.u32 s21, $0x7  }
0x25: {  	s23 =	sshll.u32 s21, $0xA;
	s8 =	sadd.s32 s8, s9;
	s9 =	sadd.s32 s4, s14  }
0x26: {  	s24 =	sand.u32 $0x1C000, s22;
	s25 =	sand.u32 $0x3C00, s23;
	s14 =	sshll.u32 s28, $0xA  }
0x27: {  	[dreg:$0xa] =	wrdreg s8;
	s8 =	sor.u32 s12, s11;
	s12 =	sshll.u32 s28, $0x7  }
0x28: {  	s16 =	sand.u32 $0x3C00, s14;
	s8 =	sadd.s32 s8, s9;
	s9 =	sadd.s32 s4, s20  }
0x29: {  	s15 =	sand.u32 $0x1C000, s12;
	[dreg:$0xb] =	wrdreg s8;
	s8 =	sor.u32 s19, s18  }
0x2a: {  	s18 =	sadd.s32 $0xB, s7;
	s7 =	sadd.s32 $0xC, s7;
	s8 =	sadd.s32 s8, s9  }
0x2b: {  	s9 =	sadd.s32 s4, s26;
	s19 =	sshll.u32 s18, $0x7;
	s26 =	smul.u32 $0x1A0000, s6  }
0x2c: {  	s20 =	sshll.u32 s18, $0xA;
	s23 =	sand.u32 $0x70, s18;
	s6 =	smul.u32 $0x34000, s6  }
0x2d: {  	[dreg:$0xc] =	wrdreg s8;
	s8 =	sor.u32 s25, s24;
	s21 =	sand.u32 $0x1C000, s19  }
0x2e: {  	s22 =	sand.u32 $0x3C00, s20;
	s24 =	sshll.u32 s7, $0x7;
	s25 =	sshll.u32 s7, $0xA  }
0x2f: {  	s7 =	sand.u32 $0x70, s7;
	s20 =	smax.u32 s5, $0x1;
	s5 =	simm.s32 $0x10  }
0x30: {  	s8 =	sadd.s32 s8, s9;
	s9 =	sadd.s32 s4, s17;
	s10 =	sand.u32 $0x1C000, s24  }
0x31: {  	s11 =	sand.u32 $0x3C00, s25;
	s6 =	sadd.s32 s0, s6;
	[dreg:$0x1a] =	wrdreg s20  }
0x32: {  	s20 =	simm.s32 $0x5;
	[dreg:$0xd] =	wrdreg s8;
	s8 =	sor.u32 s16, s15  }
0x33: {  	s28 =	sor.u32 s11, s10;
	s11 =	smul.u32 $0x68000, s13;
	s24 =	sadd.s32 $0x1A00, s6  }
0x34: {  	s25 =	sadd.s32 $0x2080, s6;
	[dreg:$0x11] =	wrdreg s6;
	s8 =	sadd.s32 s8, s9  }
0x35: {  	s9 =	sadd.s32 s4, s23;
	s4 =	sadd.s32 s4, s7;
	[dreg:$0x1f] =	wrdreg s24  }
0x36: {  	s23 =	sadd.s32 $0x1380, s6;
	[smem:$0x7FB] =	sst s25;
	s24 =	simm.s32 $0x7  }
0x37: {  	s25 =	simm.s32 $0xA;
	s7 =	simm.s32 $0x0;
	[dreg:$0xe] =	wrdreg s8  }
0x38: {  	s8 =	sor.u32 s22, s21;
	s4 =	sadd.s32 s28, s4;
	[dreg:$0x1e] =	wrdreg s23  }
0x39: {  	s21 =	sadd.s32 $0x680, s6;
	s22 =	sadd.s32 $0xD00, s6;
	[dreg:$0x10] =	wrdreg s4  }
0x3a: {  	s28 =	sadd.s32 $0x2D80, s6;
	s23 =	simm.s32 $0x1A000;
	[dreg:$0x1c] =	wrdreg s21  }
0x3b: {  	s8 =	sadd.s32 s8, s9;
	s9 =	sshrl.u32 s26, $0x3;
	[dreg:$0x1d] =	wrdreg s22  }
0x3c: {  	s26 =	sadd.s32 $0x2700, s6;
	[smem:$0x7FD] =	sst s28;
	s21 =	simm.s32 $0x16C00  }
0x3d: {  	s22 =	simm.s32 $0x6;
	[dreg:$0xf] =	wrdreg s8;
	s10 =	sadd.s32 s0, s9  }
0x3e: {  	s4 =	simm.s32 $0xF;
	[smem:$0x7FC] =	sst s26;
	s12 =	sadd.s32 $0x30C00, s10  }
0x3f: {  	s0 =	sadd.s32 s11, s0;
	s13 =	sadd.s32 $0x31280, s10;
	[dreg:$0x12] =	wrdreg s12  }
0x40: {  	s9 =	simm.s32 $0x68;
	s14 =	sadd.s32 $0x31900, s10;
	[dreg:$0x13] =	wrdreg s13  }
0x41: {  	s11 =	simm.s32 $0x6800;
	s15 =	sadd.s32 $0x31F80, s10;
	[dreg:$0x14] =	wrdreg s14  }
0x42: {  	s26 =	simm.s32 $0x8;
	s16 =	sadd.s32 $0x32600, s10;
	[dreg:$0x15] =	wrdreg s15  }
0x43: {  	s0 =	sadd.s32 s1, s0;
	s17 =	sadd.s32 $0x32C80, s10;
	[dreg:$0x16] =	wrdreg s16  }
0x44: {  	s18 =	sadd.s32 $0x33300, s10;
	s19 =	sadd.s32 $0x33980, s10;
	[dreg:$0x17] =	wrdreg s17  }
0x45: {  	s10 =	simm.s32 $0x3400;
	s1 =	simm.s32 $0xD;
	[dreg:$0x18] =	wrdreg s18  }
0x46: {  	[dreg:$0x19] =	wrdreg s19;
	s0 =	sadd.s32 $0x6180, s0;
	s12 =	simm.s32 $0x9C00  }
0x47: {  	s13 =	simm.s32 $0x2;
	s14 =	simm.s32 $0xD000;
	s15 =	simm.s32 $0x3  }
0x48: {  	s16 =	simm.s32 $0x10400;
	s18 =	simm.s32 $0x4;
	s19 =	simm.s32 $0x13800  }
0x49: {  	s17 =	simm.s32 $0x11;
	[dreg:$0x1b] =	wrdreg s0;
	s0 =	simm.s32 $0xE  }
.LBB2_1:
0x4a: {  	[smem:$0x7FA] =	sst s7  }
0x4b: {  	s6 =	rddreg [dreg:$0x4];
	s7 =	simm.s32 $0x80;
	s8 =	simm.s32 $0x400  }
0x4c: {  	[tilespmem:s3], [sflag:$0x1] =	stream.strided.gather [hbm4b:s6+s7], $0x400, s8, s7, $0x38;
	[tilespmem:$0x1D400] =	vst v63  }
0x4d: {  	s6 =	rddreg [dreg:$0x5]  }
0x4e: {  	[tilespmem:s8], [sflag:$0x1] =	stream.strided.gather [hbm4b:s6+s7], $0x400, s8, s7, $0x38;
	[tilespmem:$0x1D400] =	vst v63  }
0x4f: {  	s28 =	simm.s32 $0x800;
	s6 =	rddreg [dreg:$0x6]  }
0x50: {  	[tilespmem:s28], [sflag:$0x1] =	stream.strided.gather [hbm4b:s6+s7], $0x400, s8, s7, $0x38;
	[tilespmem:$0x1D400] =	vst v63  }
0x51: {  	s6 =	rddreg [dreg:$0x7];
	s28 =	simm.s32 $0xC00  }
0x52: {  	[tilespmem:s28], [sflag:$0x1] =	stream.strided.gather [hbm4b:s6+s7], $0x400, s8, s7, $0x38;
	[tilespmem:$0x1D400] =	vst v63  }
0x53: {  	s6 =	rddreg [dreg:$0x8];
	s28 =	simm.s32 $0x1000  }
0x54: {  	[tilespmem:s28], [sflag:$0x1] =	stream.strided.gather [hbm4b:s6+s7], $0x400, s8, s7, $0x38;
	[tilespmem:$0x1D400] =	vst v63  }
0x55: {  	s6 =	rddreg [dreg:$0x9];
	s28 =	simm.s32 $0x1400  }
0x56: {  	[tilespmem:s28], [sflag:$0x1] =	stream.strided.gather [hbm4b:s6+s7], $0x400, s8, s7, $0x38;
	[tilespmem:$0x1D400] =	vst v63  }
0x57: {  	s6 =	rddreg [dreg:$0xa];
	s28 =	simm.s32 $0x1800  }
0x58: {  	[tilespmem:s28], [sflag:$0x1] =	stream.strided.gather [hbm4b:s6+s7], $0x400, s8, s7, $0x38;
	[tilespmem:$0x1D400] =	vst v63  }
0x59: {  	s6 =	rddreg [dreg:$0xb];
	s28 =	simm.s32 $0x1C00  }
0x5a: {  	[tilespmem:s28], [sflag:$0x1] =	stream.strided.gather [hbm4b:s6+s7], $0x400, s8, s7, $0x38;
	[tilespmem:$0x1D400] =	vst v63  }
0x5b: {  	s6 =	rddreg [dreg:$0xc];
	s28 =	simm.s32 $0x2000  }
0x5c: {  	[tilespmem:s28], [sflag:$0x1] =	stream.strided.gather [hbm4b:s6+s7], $0x400, s8, s7, $0x38;
	[tilespmem:$0x1D400] =	vst v63  }
0x5d: {  	s6 =	rddreg [dreg:$0xd];
	s28 =	simm.s32 $0x2400  }
0x5e: {  	[tilespmem:s28], [sflag:$0x1] =	stream.strided.gather [hbm4b:s6+s7], $0x400, s8, s7, $0x38;
	[tilespmem:$0x1D400] =	vst v63  }
0x5f: {  	s6 =	rddreg [dreg:$0xe];
	s28 =	simm.s32 $0x2800  }
0x60: {  	[tilespmem:s28], [sflag:$0x1] =	stream.strided.gather [hbm4b:s6+s7], $0x400, s8, s7, $0x38;
	[tilespmem:$0x1D400] =	vst v63  }
0x61: {  	s6 =	rddreg [dreg:$0xf];
	s28 =	simm.s32 $0x2C00  }
0x62: {  	[tilespmem:s28], [sflag:$0x1] =	stream.strided.gather [hbm4b:s6+s7], $0x400, s8, s7, $0x38;
	[tilespmem:$0x1D400] =	vst v63  }
0x63: {  	s6 =	rddreg [dreg:$0x10];
	s28 =	simm.s32 $0x3000  }
0x64: {  	[tilespmem:s28], [sflag:$0x1] =	stream.strided.gather [hbm4b:s6+s7], $0x400, s8, s7, $0x38;
	[tilespmem:$0x1D400] =	vst v63  }
0x65: {  	s7 =	simm.s32 $0x1  }
0x66: {  	_ =	swait.ge [sflag:s7], $0x400  }
0x67: {  	[sflag:s7] =	ssyncset.done $0x0  }
0x68: {  	[sflag:s7] =	ssyncadd.s32 $0xFFFFFC00  }
0x69: {  	_ =	swait.ge [sflag:s7], $0x400  }
0x6a: {  	[sflag:s7] =	ssyncset.done $0x0  }
0x6b: {  	[sflag:s7] =	ssyncadd.s32 $0xFFFFFC00  }
0x6c: {  	_ =	swait.ge [sflag:s7], $0x400  }
0x6d: {  	[sflag:s7] =	ssyncset.done $0x0  }
0x6e: {  	[sflag:s7] =	ssyncadd.s32 $0xFFFFFC00  }
0x6f: {  	_ =	swait.ge [sflag:s7], $0x400  }
0x70: {  	[sflag:s7] =	ssyncset.done $0x0  }
0x71: {  	[sflag:s7] =	ssyncadd.s32 $0xFFFFFC00  }
0x72: {  	_ =	swait.ge [sflag:s7], $0x400  }
0x73: {  	[sflag:s7] =	ssyncset.done $0x0  }
0x74: {  	[sflag:s7] =	ssyncadd.s32 $0xFFFFFC00  }
0x75: {  	_ =	swait.ge [sflag:s7], $0x400  }
0x76: {  	[sflag:s7] =	ssyncset.done $0x0  }
0x77: {  	[sflag:s7] =	ssyncadd.s32 $0xFFFFFC00  }
0x78: {  	_ =	swait.ge [sflag:s7], $0x400  }
0x79: {  	[sflag:s7] =	ssyncset.done $0x0  }
0x7a: {  	[sflag:s7] =	ssyncadd.s32 $0xFFFFFC00  }
0x7b: {  	_ =	swait.ge [sflag:s7], $0x400  }
0x7c: {  	[sflag:s7] =	ssyncset.done $0x0  }
0x7d: {  	[sflag:s7] =	ssyncadd.s32 $0xFFFFFC00  }
0x7e: {  	_ =	swait.ge [sflag:s7], $0x400  }
0x7f: {  	[sflag:s7] =	ssyncset.done $0x0  }
0x80: {  	[sflag:s7] =	ssyncadd.s32 $0xFFFFFC00  }
0x81: {  	_ =	swait.ge [sflag:s7], $0x400  }
0x82: {  	[sflag:s7] =	ssyncset.done $0x0  }
0x83: {  	[sflag:s7] =	ssyncadd.s32 $0xFFFFFC00  }
0x84: {  	_ =	swait.ge [sflag:s7], $0x400  }
0x85: {  	[sflag:s7] =	ssyncset.done $0x0  }
0x86: {  	[sflag:s7] =	ssyncadd.s32 $0xFFFFFC00  }
0x87: {  	_ =	swait.ge [sflag:s7], $0x400  }
0x88: {  	[sflag:s7] =	ssyncset.done $0x0  }
0x89: {  	[sflag:s7] =	ssyncadd.s32 $0xFFFFFC00  }
0x8a: {  	_ =	swait.ge [sflag:s7], $0x400  }
0x8b: {  	[sflag:s7] =	ssyncset.done $0x0  }
0x8c: {  	[sflag:s7] =	ssyncadd.s32 $0xFFFFFC00  }
0x8d: {  	[tilespmem:s10], [sflag:$0x2] =	stream.indirect.gather [hbm4b:s2+s9], $0x80, s3, s9, $0xb8;
	[tilespmem:$0x1D400] =	vst v63  }
0x8e: {  	_ = 	snop  }
0x8f: {  	[tilespmem:s11], [sflag:$0x3] =	stream.indirect.gather [hbm4b:s2+s9], $0x80, s9, s9, $0xb8;
	[tilespmem:$0x1D400] =	vst v63  }
0x90: {  	s8 =	simm.s32 $0xD0  }
0x91: {  	[tilespmem:s12], [sflag:$0x4] =	stream.indirect.gather [hbm4b:s2+s9], $0x80, s8, s9, $0xb8;
	[tilespmem:$0x1D400] =	vst v63  }
0x92: {  	_ =	swait.ge [sflag:s13], $0x3400  }
0x93: {  	[sflag:s13] =	ssyncset.done $0x0  }
0x94: {  	s7 =	rddreg [dreg:$0x11];
	[sflag:s13] =	ssyncadd.s32 $0xFFFFCC00  }
0x95: {  	[hbm4b:s7+s3] =	stream.linear.scatter [tilespmem:s10], [sflag:$0xA], $0x3400, $0x38;
	[tilespmem:$0x1D400] =	vst v63  }
0x96: {  	s8 =	simm.s32 $0x138  }
0x97: {  	[tilespmem:s14], [sflag:$0x5] =	stream.indirect.gather [hbm4b:s2+s9], $0x80, s8, s9, $0xb8;
	[tilespmem:$0x1D400] =	vst v63  }
0x98: {  	_ =	swait.ge [sflag:s15], $0x3400  }
0x99: {  	[sflag:s15] =	ssyncset.done $0x0  }
0x9a: {  	s7 =	rddreg [dreg:$0x1c];
	[sflag:s15] =	ssyncadd.s32 $0xFFFFCC00  }
0x9b: {  	[hbm4b:s7+s3] =	stream.linear.scatter [tilespmem:s11], [sflag:$0xB], $0x3400, $0x38;
	[tilespmem:$0x1D400] =	vst v63  }
0x9c: {  	s8 =	simm.s32 $0x1A0  }
0x9d: {  	[tilespmem:s16], [sflag:$0x6] =	stream.indirect.gather [hbm4b:s2+s9], $0x80, s8, s9, $0xb8;
	[tilespmem:$0x1D400] =	vst v63  }
0x9e: {  	_ =	swait.ge [sflag:s18], $0x3400  }
0x9f: {  	[sflag:s18] =	ssyncset.done $0x0  }
0xa0: {  	s7 =	rddreg [dreg:$0x1d];
	[sflag:s18] =	ssyncadd.s32 $0xFFFFCC00  }
0xa1: {  	[hbm4b:s7+s3] =	stream.linear.scatter [tilespmem:s12], [sflag:$0xC], $0x3400, $0x38;
	[tilespmem:$0x1D400] =	vst v63  }
0xa2: {  	s8 =	simm.s32 $0x208  }
0xa3: {  	[tilespmem:s19], [sflag:$0x7] =	stream.indirect.gather [hbm4b:s2+s9], $0x80, s8, s9, $0xb8;
	[tilespmem:$0x1D400] =	vst v63  }
0xa4: {  	_ =	swait.ge [sflag:s20], $0x3400  }
0xa5: {  	[sflag:s20] =	ssyncset.done $0x0  }
0xa6: {  	s7 =	rddreg [dreg:$0x1e];
	[sflag:s20] =	ssyncadd.s32 $0xFFFFCC00  }
0xa7: {  	[hbm4b:s7+s3] =	stream.linear.scatter [tilespmem:s14], [sflag:$0xD], $0x3400, $0x38;
	[tilespmem:$0x1D400] =	vst v63  }
0xa8: {  	s8 =	simm.s32 $0x270  }
0xa9: {  	[tilespmem:s21], [sflag:$0x8] =	stream.indirect.gather [hbm4b:s2+s9], $0x80, s8, s9, $0xb8;
	[tilespmem:$0x1D400] =	vst v63  }
0xaa: {  	_ =	swait.ge [sflag:s22], $0x3400  }
0xab: {  	[sflag:s22] =	ssyncset.done $0x0  }
0xac: {  	s7 =	rddreg [dreg:$0x1f];
	[sflag:s22] =	ssyncadd.s32 $0xFFFFCC00  }
0xad: {  	[hbm4b:s7+s3] =	stream.linear.scatter [tilespmem:s16], [sflag:$0xE], $0x3400, $0x38;
	[tilespmem:$0x1D400] =	vst v63  }
0xae: {  	s8 =	simm.s32 $0x2D8  }
0xaf: {  	[tilespmem:s23], [sflag:$0x9] =	stream.indirect.gather [hbm4b:s2+s9], $0x80, s8, s9, $0xb8;
	[tilespmem:$0x1D400] =	vst v63  }
0xb0: {  	_ =	swait.ge [sflag:s24], $0x3400  }
0xb1: {  	s7 =	sld [smem:$0x7FB]  }
0xb2: {  	[sflag:s24] =	ssyncset.done $0x0  }
0xb3: {  	[sflag:s24] =	ssyncadd.s32 $0xFFFFCC00  }
0xb4: {  	[hbm4b:s7+s3] =	stream.linear.scatter [tilespmem:s19], [sflag:$0xF], $0x3400, $0x38;
	[tilespmem:$0x1D400] =	vst v63  }
0xb5: {  	_ =	swait.ge [sflag:s25], $0x3400  }
0xb6: {  	[sflag:s25] =	ssyncset.done $0x0  }
0xb7: {  	s8 =	simm.s32 $0x340;
	[sflag:s25] =	ssyncadd.s32 $0xFFFFCC00  }
0xb8: {  	[tilespmem:s10], [sflag:$0x2] =	stream.indirect.gather [hbm4b:s2+s9], $0x80, s8, s9, $0xb8;
	[tilespmem:$0x1D400] =	vst v63  }
0xb9: {  	_ =	swait.ge [sflag:s26], $0x3400  }
0xba: {  	s7 =	sld [smem:$0x7FC]  }
0xbb: {  	[sflag:s26] =	ssyncset.done $0x0  }
0xbc: {  	[sflag:s26] =	ssyncadd.s32 $0xFFFFCC00  }
0xbd: {  	[hbm4b:s7+s3] =	stream.linear.scatter [tilespmem:s21], [sflag:$0x10], $0x3400, $0x38;
	[tilespmem:$0x1D400] =	vst v63  }
0xbe: {  	_ =	swait.ge [sflag:s29], $0x3400  }
0xbf: {  	[sflag:s29] =	ssyncset.done $0x0  }
0xc0: {  	s8 =	simm.s32 $0x3A8;
	[sflag:s29] =	ssyncadd.s32 $0xFFFFCC00  }
0xc1: {  	[tilespmem:s11], [sflag:$0x3] =	stream.indirect.gather [hbm4b:s2+s9], $0x80, s8, s9, $0xb8;
	[tilespmem:$0x1D400] =	vst v63  }
0xc2: {  	_ =	swait.ge [sflag:s30], $0x3400  }
0xc3: {  	s7 =	sld [smem:$0x7FD]  }
0xc4: {  	[sflag:s30] =	ssyncset.done $0x0  }
0xc5: {  	[sflag:s30] =	ssyncadd.s32 $0xFFFFCC00  }
0xc6: {  	[hbm4b:s7+s3] =	stream.linear.scatter [tilespmem:s23], [sflag:$0x11], $0x3400, $0x38;
	[tilespmem:$0x1D400] =	vst v63  }
0xc7: {  	_ =	swait.ge [sflag:s31], $0x3400  }
0xc8: {  	[sflag:s31] =	ssyncset.done $0x0  }
0xc9: {  	s8 =	simm.s32 $0x410;
	[sflag:s31] =	ssyncadd.s32 $0xFFFFCC00  }
0xca: {  	[tilespmem:s12], [sflag:$0x4] =	stream.indirect.gather [hbm4b:s2+s9], $0x80, s8, s9, $0xb8;
	[tilespmem:$0x1D400] =	vst v63  }
0xcb: {  	_ =	swait.ge [sflag:s13], $0x3400  }
0xcc: {  	[sflag:s13] =	ssyncset.done $0x0;
	s8 =	rddreg [dreg:$0x1b]  }
0xcd: {  	[sflag:s13] =	ssyncadd.s32 $0xFFFFCC00;
	s7 =	sadd.s32 $0xFFFFD280, s8  }
0xce: {  	[hbm4b:s7+s3] =	stream.linear.scatter [tilespmem:s10], [sflag:$0xA], $0x3400, $0x38;
	[tilespmem:$0x1D400] =	vst v63  }
0xcf: {  	_ =	swait.ge [sflag:s1], $0x3400  }
0xd0: {  	[sflag:s1] =	ssyncset.done $0x0  }
0xd1: {  	s7 =	simm.s32 $0x478;
	[sflag:s1] =	ssyncadd.s32 $0xFFFFCC00  }
0xd2: {  	[tilespmem:s14], [sflag:$0x5] =	stream.indirect.gather [hbm4b:s2+s9], $0x80, s7, s9, $0xb8;
	[tilespmem:$0x1D400] =	vst v63  }
0xd3: {  	_ =	swait.ge [sflag:s15], $0x3400  }
0xd4: {  	[sflag:s15] =	ssyncset.done $0x0  }
0xd5: {  	s7 =	sadd.s32 $0xFFFFD900, s8;
	[sflag:s15] =	ssyncadd.s32 $0xFFFFCC00  }
0xd6: {  	[hbm4b:s7+s3] =	stream.linear.scatter [tilespmem:s11], [sflag:$0xB], $0x3400, $0x38;
	[tilespmem:$0x1D400] =	vst v63  }
0xd7: {  	_ =	swait.ge [sflag:s0], $0x3400  }
0xd8: {  	[sflag:s0] =	ssyncset.done $0x0  }
0xd9: {  	s7 =	simm.s32 $0x4E0;
	[sflag:s0] =	ssyncadd.s32 $0xFFFFCC00  }
0xda: {  	[tilespmem:s16], [sflag:$0x6] =	stream.indirect.gather [hbm4b:s2+s9], $0x80, s7, s9, $0xb8;
	[tilespmem:$0x1D400] =	vst v63  }
0xdb: {  	_ =	swait.ge [sflag:s18], $0x3400  }
0xdc: {  	[sflag:s18] =	ssyncset.done $0x0  }
0xdd: {  	s7 =	sadd.s32 $0xFFFFDF80, s8;
	[sflag:s18] =	ssyncadd.s32 $0xFFFFCC00  }
0xde: {  	[hbm4b:s7+s3] =	stream.linear.scatter [tilespmem:s12], [sflag:$0xC], $0x3400, $0x38;
	[tilespmem:$0x1D400] =	vst v63  }
0xdf: {  	_ =	swait.ge [sflag:s4], $0x3400  }
0xe0: {  	[sflag:s4] =	ssyncset.done $0x0  }
0xe1: {  	s7 =	simm.s32 $0x548;
	[sflag:s4] =	ssyncadd.s32 $0xFFFFCC00  }
0xe2: {  	[tilespmem:s19], [sflag:$0x7] =	stream.indirect.gather [hbm4b:s2+s9], $0x80, s7, s9, $0xb8;
	[tilespmem:$0x1D400] =	vst v63  }
0xe3: {  	_ =	swait.ge [sflag:s20], $0x3400  }
0xe4: {  	[sflag:s20] =	ssyncset.done $0x0  }
0xe5: {  	s7 =	sadd.s32 $0xFFFFE600, s8;
	[sflag:s20] =	ssyncadd.s32 $0xFFFFCC00  }
0xe6: {  	[hbm4b:s7+s3] =	stream.linear.scatter [tilespmem:s14], [sflag:$0xD], $0x3400, $0x38;
	[tilespmem:$0x1D400] =	vst v63  }
0xe7: {  	_ =	swait.ge [sflag:s5], $0x3400  }
0xe8: {  	[sflag:s5] =	ssyncset.done $0x0  }
0xe9: {  	s7 =	simm.s32 $0x5B0;
	[sflag:s5] =	ssyncadd.s32 $0xFFFFCC00  }
0xea: {  	[tilespmem:s21], [sflag:$0x8] =	stream.indirect.gather [hbm4b:s2+s9], $0x80, s7, s9, $0xb8;
	[tilespmem:$0x1D400] =	vst v63  }
0xeb: {  	_ =	swait.ge [sflag:s22], $0x3400  }
0xec: {  	[sflag:s22] =	ssyncset.done $0x0  }
0xed: {  	s7 =	sadd.s32 $0xFFFFEC80, s8;
	[sflag:s22] =	ssyncadd.s32 $0xFFFFCC00  }
0xee: {  	[hbm4b:s7+s3] =	stream.linear.scatter [tilespmem:s16], [sflag:$0xE], $0x3400, $0x38;
	[tilespmem:$0x1D400] =	vst v63  }
0xef: {  	_ =	swait.ge [sflag:s17], $0x3400  }
0xf0: {  	[sflag:s17] =	ssyncset.done $0x0  }
0xf1: {  	s7 =	simm.s32 $0x618;
	[sflag:s17] =	ssyncadd.s32 $0xFFFFCC00  }
0xf2: {  	[tilespmem:s23], [sflag:$0x9] =	stream.indirect.gather [hbm4b:s2+s9], $0x80, s7, s9, $0xb8;
	[tilespmem:$0x1D400] =	vst v63  }
0xf3: {  	_ =	swait.ge [sflag:s24], $0x3400  }
0xf4: {  	[sflag:s24] =	ssyncset.done $0x0  }
0xf5: {  	s7 =	sadd.s32 $0xFFFFF300, s8;
	[sflag:s24] =	ssyncadd.s32 $0xFFFFCC00  }
0xf6: {  	[hbm4b:s7+s3] =	stream.linear.scatter [tilespmem:s19], [sflag:$0xF], $0x3400, $0x38;
	[tilespmem:$0x1D400] =	vst v63  }
0xf7: {  	_ =	swait.ge [sflag:s25], $0x3400  }
0xf8: {  	[sflag:s25] =	ssyncset.done $0x0  }
0xf9: {  	s7 =	simm.s32 $0x680;
	[sflag:s25] =	ssyncadd.s32 $0xFFFFCC00  }
0xfa: {  	[tilespmem:s10], [sflag:$0x2] =	stream.indirect.gather [hbm4b:s2+s9], $0x80, s7, s9, $0xb8;
	[tilespmem:$0x1D400] =	vst v63  }
0xfb: {  	_ =	swait.ge [sflag:s26], $0x3400  }
0xfc: {  	[sflag:s26] =	ssyncset.done $0x0  }
0xfd: {  	s7 =	sadd.s32 $0xFFFFF980, s8;
	[sflag:s26] =	ssyncadd.s32 $0xFFFFCC00  }
0xfe: {  	[hbm4b:s7+s3] =	stream.linear.scatter [tilespmem:s21], [sflag:$0x10], $0x3400, $0x38;
	[tilespmem:$0x1D400] =	vst v63  }
0xff: {  	_ =	swait.ge [sflag:s29], $0x3400  }
0x100: {  	[sflag:s29] =	ssyncset.done $0x0  }
0x101: {  	s7 =	simm.s32 $0x6E8;
	[sflag:s29] =	ssyncadd.s32 $0xFFFFCC00  }
0x102: {  	[tilespmem:s11], [sflag:$0x3] =	stream.indirect.gather [hbm4b:s2+s9], $0x80, s7, s9, $0xb8;
	[tilespmem:$0x1D400] =	vst v63  }
0x103: {  	_ =	swait.ge [sflag:s30], $0x3400  }
0x104: {  	[sflag:s30] =	ssyncset.done $0x0  }
0x105: {  	[sflag:s30] =	ssyncadd.s32 $0xFFFFCC00  }
0x106: {  	[hbm4b:s8+s3] =	stream.linear.scatter [tilespmem:s23], [sflag:$0x11], $0x3400, $0x38;
	[tilespmem:$0x1D400] =	vst v63  }
0x107: {  	_ =	swait.ge [sflag:s31], $0x3400  }
0x108: {  	s28 =	simm.s32 $0x750;
	[sflag:s31] =	ssyncset.done $0x0  }
0x109: {  	s6 =	sadd.s32 $0x3400, s8;
	s7 =	simm.s32 $0xD00;
	[sflag:s31] =	ssyncadd.s32 $0xFFFFCC00  }
.LBB2_2:
0x10a: {  	[tilespmem:s12], [sflag:$0x4] =	stream.indirect.gather [hbm4b:s2+s9], $0x80, s28, s9, $0xb8;
	[tilespmem:$0x1D400] =	vst v63  }
0x10b: {  	s28 =	smov.u32 s7  }
0x10c: {  	p0 =	sne.s32 s7, $0xA900;
	s7 =	sadd.s32 $0xD00, s7;
	_ =	swait.ge [sflag:s13], $0x3400  }
0x10d: {  	[sflag:s13] =	ssyncset.done $0x0  }
0x10e: {  	s8 =	sadd.s32 $0xFFFFD280, s6;
	[sflag:s13] =	ssyncadd.s32 $0xFFFFCC00  }
0x10f: {  	[hbm4b:s8+s3] =	stream.linear.scatter [tilespmem:s10], [sflag:$0xA], $0x3400, $0x38;
	[tilespmem:$0x1D400] =	vst v63  }
0x110: {  	_ =	swait.ge [sflag:s1], $0x3400  }
0x111: {  	s28 =	sshra.s32 s28, $0x2;
	[sflag:s1] =	ssyncset.done $0x0  }
0x112: {  	s8 =	sadd.s32 $0x478, s28;
	[sflag:s1] =	ssyncadd.s32 $0xFFFFCC00  }
0x113: {  	[tilespmem:s14], [sflag:$0x5] =	stream.indirect.gather [hbm4b:s2+s9], $0x80, s8, s9, $0xb8;
	[tilespmem:$0x1D400] =	vst v63  }
0x114: {  	_ =	swait.ge [sflag:s15], $0x3400  }
0x115: {  	[sflag:s15] =	ssyncset.done $0x0  }
0x116: {  	s8 =	sadd.s32 $0xFFFFD900, s6;
	[sflag:s15] =	ssyncadd.s32 $0xFFFFCC00  }
0x117: {  	[hbm4b:s8+s3] =	stream.linear.scatter [tilespmem:s11], [sflag:$0xB], $0x3400, $0x38;
	[tilespmem:$0x1D400] =	vst v63  }
0x118: {  	_ =	swait.ge [sflag:s0], $0x3400  }
0x119: {  	[sflag:s0] =	ssyncset.done $0x0  }
0x11a: {  	s8 =	sadd.s32 $0x4E0, s28;
	[sflag:s0] =	ssyncadd.s32 $0xFFFFCC00  }
0x11b: {  	[tilespmem:s16], [sflag:$0x6] =	stream.indirect.gather [hbm4b:s2+s9], $0x80, s8, s9, $0xb8;
	[tilespmem:$0x1D400] =	vst v63  }
0x11c: {  	_ =	swait.ge [sflag:s18], $0x3400  }
0x11d: {  	[sflag:s18] =	ssyncset.done $0x0  }
0x11e: {  	s8 =	sadd.s32 $0xFFFFDF80, s6;
	[sflag:s18] =	ssyncadd.s32 $0xFFFFCC00  }
0x11f: {  	[hbm4b:s8+s3] =	stream.linear.scatter [tilespmem:s12], [sflag:$0xC], $0x3400, $0x38;
	[tilespmem:$0x1D400] =	vst v63  }
0x120: {  	_ =	swait.ge [sflag:s4], $0x3400  }
0x121: {  	[sflag:s4] =	ssyncset.done $0x0  }
0x122: {  	s8 =	sadd.s32 $0x548, s28;
	[sflag:s4] =	ssyncadd.s32 $0xFFFFCC00  }
0x123: {  	[tilespmem:s19], [sflag:$0x7] =	stream.indirect.gather [hbm4b:s2+s9], $0x80, s8, s9, $0xb8;
	[tilespmem:$0x1D400] =	vst v63  }
0x124: {  	_ =	swait.ge [sflag:s20], $0x3400  }
0x125: {  	[sflag:s20] =	ssyncset.done $0x0  }
0x126: {  	s8 =	sadd.s32 $0xFFFFE600, s6;
	[sflag:s20] =	ssyncadd.s32 $0xFFFFCC00  }
0x127: {  	[hbm4b:s8+s3] =	stream.linear.scatter [tilespmem:s14], [sflag:$0xD], $0x3400, $0x38;
	[tilespmem:$0x1D400] =	vst v63  }
0x128: {  	_ =	swait.ge [sflag:s5], $0x3400  }
0x129: {  	[sflag:s5] =	ssyncset.done $0x0  }
0x12a: {  	s8 =	sadd.s32 $0x5B0, s28;
	[sflag:s5] =	ssyncadd.s32 $0xFFFFCC00  }
0x12b: {  	[tilespmem:s21], [sflag:$0x8] =	stream.indirect.gather [hbm4b:s2+s9], $0x80, s8, s9, $0xb8;
	[tilespmem:$0x1D400] =	vst v63  }
0x12c: {  	_ =	swait.ge [sflag:s22], $0x3400  }
0x12d: {  	[sflag:s22] =	ssyncset.done $0x0  }
0x12e: {  	s8 =	sadd.s32 $0xFFFFEC80, s6;
	[sflag:s22] =	ssyncadd.s32 $0xFFFFCC00  }
0x12f: {  	[hbm4b:s8+s3] =	stream.linear.scatter [tilespmem:s16], [sflag:$0xE], $0x3400, $0x38;
	[tilespmem:$0x1D400] =	vst v63  }
0x130: {  	_ =	swait.ge [sflag:s17], $0x3400  }
0x131: {  	[sflag:s17] =	ssyncset.done $0x0  }
0x132: {  	s8 =	sadd.s32 $0x618, s28;
	[sflag:s17] =	ssyncadd.s32 $0xFFFFCC00  }
0x133: {  	[tilespmem:s23], [sflag:$0x9] =	stream.indirect.gather [hbm4b:s2+s9], $0x80, s8, s9, $0xb8;
	[tilespmem:$0x1D400] =	vst v63  }
0x134: {  	_ =	swait.ge [sflag:s24], $0x3400  }
0x135: {  	[sflag:s24] =	ssyncset.done $0x0  }
0x136: {  	s8 =	sadd.s32 $0xFFFFF300, s6;
	[sflag:s24] =	ssyncadd.s32 $0xFFFFCC00  }
0x137: {  	[hbm4b:s8+s3] =	stream.linear.scatter [tilespmem:s19], [sflag:$0xF], $0x3400, $0x38;
	[tilespmem:$0x1D400] =	vst v63  }
0x138: {  	_ =	swait.ge [sflag:s25], $0x3400  }
0x139: {  	[sflag:s25] =	ssyncset.done $0x0  }
0x13a: {  	s8 =	sadd.s32 $0x680, s28;
	[sflag:s25] =	ssyncadd.s32 $0xFFFFCC00  }
0x13b: {  	[tilespmem:s10], [sflag:$0x2] =	stream.indirect.gather [hbm4b:s2+s9], $0x80, s8, s9, $0xb8;
	[tilespmem:$0x1D400] =	vst v63  }
0x13c: {  	_ =	swait.ge [sflag:s26], $0x3400  }
0x13d: {  	[sflag:s26] =	ssyncset.done $0x0  }
0x13e: {  	s8 =	sadd.s32 $0xFFFFF980, s6;
	[sflag:s26] =	ssyncadd.s32 $0xFFFFCC00  }
0x13f: {  	[hbm4b:s8+s3] =	stream.linear.scatter [tilespmem:s21], [sflag:$0x10], $0x3400, $0x38;
	[tilespmem:$0x1D400] =	vst v63  }
0x140: {  	_ =	swait.ge [sflag:s29], $0x3400  }
0x141: {  	[sflag:s29] =	ssyncset.done $0x0  }
0x142: {  	s8 =	sadd.s32 $0x6E8, s28;
	[sflag:s29] =	ssyncadd.s32 $0xFFFFCC00  }
0x143: {  	[tilespmem:s11], [sflag:$0x3] =	stream.indirect.gather [hbm4b:s2+s9], $0x80, s8, s9, $0xb8;
	[tilespmem:$0x1D400] =	vst v63  }
0x144: {  	_ =	swait.ge [sflag:s30], $0x3400  }
0x145: {  	[sflag:s30] =	ssyncset.done $0x0  }
.Ltmp0:
0x146: {  	[sflag:s30] =	ssyncadd.s32 $0xFFFFCC00;
	(pc) =	sbr.rel @p0 .LBB2_2-.Ltmp0, $4  }
0x147: {  	[hbm4b:s6+s3] =	stream.linear.scatter [tilespmem:s23], [sflag:$0x11], $0x3400, $0x38;
	[tilespmem:$0x1D400] =	vst v63  }
0x148: {  	_ =	swait.ge [sflag:s31], $0x3400  }
0x149: {  	[sflag:s31] =	ssyncset.done $0x0  }
0x14a: {  	s28 =	sadd.s32 $0x750, s28;
	s6 =	sadd.s32 $0x3400, s6;
	[sflag:s31] =	ssyncadd.s32 $0xFFFFCC00  }
0x14b: {  	[tilespmem:s12], [sflag:$0x4] =	stream.indirect.gather [hbm4b:s2+s9], $0x80, s28, s9, $0xb8;
	[tilespmem:$0x1D400] =	vst v63  }
0x14c: {  	_ =	swait.ge [sflag:s13], $0x3400  }
0x14d: {  	[sflag:s13] =	ssyncset.done $0x0  }
0x14e: {  	s6 =	rddreg [dreg:$0x12];
	[sflag:s13] =	ssyncadd.s32 $0xFFFFCC00  }
0x14f: {  	[hbm4b:s6+s3] =	stream.linear.scatter [tilespmem:s10], [sflag:$0xA], $0x3400, $0x38;
	[tilespmem:$0x1D400] =	vst v63  }
0x150: {  	_ =	swait.ge [sflag:s1], $0x3400  }
0x151: {  	[sflag:s1] =	ssyncset.done $0x0  }
0x152: {  	s28 =	simm.s32 $0x31F8;
	[sflag:s1] =	ssyncadd.s32 $0xFFFFCC00  }
0x153: {  	[tilespmem:s14], [sflag:$0x5] =	stream.indirect.gather [hbm4b:s2+s9], $0x80, s28, s9, $0xb8;
	[tilespmem:$0x1D400] =	vst v63  }
0x154: {  	_ =	swait.ge [sflag:s15], $0x3400  }
0x155: {  	[sflag:s15] =	ssyncset.done $0x0  }
0x156: {  	s7 =	rddreg [dreg:$0x13];
	[sflag:s15] =	ssyncadd.s32 $0xFFFFCC00  }
0x157: {  	[hbm4b:s7+s3] =	stream.linear.scatter [tilespmem:s11], [sflag:$0xB], $0x3400, $0x38;
	[tilespmem:$0x1D400] =	vst v63  }
0x158: {  	_ =	swait.ge [sflag:s0], $0x3400  }
0x159: {  	[sflag:s0] =	ssyncset.done $0x0  }
0x15a: {  	s8 =	simm.s32 $0x3260;
	[sflag:s0] =	ssyncadd.s32 $0xFFFFCC00  }
0x15b: {  	[tilespmem:s16], [sflag:$0x6] =	stream.indirect.gather [hbm4b:s2+s9], $0x80, s8, s9, $0xb8;
	[tilespmem:$0x1D400] =	vst v63  }
0x15c: {  	_ =	swait.ge [sflag:s18], $0x3400  }
0x15d: {  	[sflag:s18] =	ssyncset.done $0x0  }
0x15e: {  	s28 =	rddreg [dreg:$0x14];
	[sflag:s18] =	ssyncadd.s32 $0xFFFFCC00  }
0x15f: {  	[hbm4b:s28+s3] =	stream.linear.scatter [tilespmem:s12], [sflag:$0xC], $0x3400, $0x38;
	[tilespmem:$0x1D400] =	vst v63  }
0x160: {  	_ =	swait.ge [sflag:s4], $0x3400  }
0x161: {  	[sflag:s4] =	ssyncset.done $0x0  }
0x162: {  	s7 =	simm.s32 $0x32C8;
	[sflag:s4] =	ssyncadd.s32 $0xFFFFCC00  }
0x163: {  	[tilespmem:s19], [sflag:$0x7] =	stream.indirect.gather [hbm4b:s2+s9], $0x80, s7, s9, $0xb8;
	[tilespmem:$0x1D400] =	vst v63  }
0x164: {  	_ =	swait.ge [sflag:s20], $0x3400  }
0x165: {  	[sflag:s20] =	ssyncset.done $0x0  }
0x166: {  	s8 =	rddreg [dreg:$0x15];
	[sflag:s20] =	ssyncadd.s32 $0xFFFFCC00  }
0x167: {  	[hbm4b:s8+s3] =	stream.linear.scatter [tilespmem:s14], [sflag:$0xD], $0x3400, $0x38;
	[tilespmem:$0x1D400] =	vst v63  }
0x168: {  	_ =	swait.ge [sflag:s5], $0x3400  }
0x169: {  	[sflag:s5] =	ssyncset.done $0x0  }
0x16a: {  	s28 =	simm.s32 $0x3330;
	[sflag:s5] =	ssyncadd.s32 $0xFFFFCC00  }
0x16b: {  	[tilespmem:s21], [sflag:$0x8] =	stream.indirect.gather [hbm4b:s2+s9], $0x80, s28, s9, $0xb8;
	[tilespmem:$0x1D400] =	vst v63  }
0x16c: {  	_ =	swait.ge [sflag:s22], $0x3400  }
0x16d: {  	[sflag:s22] =	ssyncset.done $0x0  }
0x16e: {  	s7 =	rddreg [dreg:$0x16];
	[sflag:s22] =	ssyncadd.s32 $0xFFFFCC00  }
0x16f: {  	[hbm4b:s7+s3] =	stream.linear.scatter [tilespmem:s16], [sflag:$0xE], $0x3400, $0x38;
	[tilespmem:$0x1D400] =	vst v63  }
0x170: {  	_ =	swait.ge [sflag:s17], $0x3400  }
0x171: {  	[sflag:s17] =	ssyncset.done $0x0  }
0x172: {  	s8 =	simm.s32 $0x3398;
	[sflag:s17] =	ssyncadd.s32 $0xFFFFCC00  }
0x173: {  	[tilespmem:s23], [sflag:$0x9] =	stream.indirect.gather [hbm4b:s2+s9], $0x80, s8, s9, $0xb8;
	[tilespmem:$0x1D400] =	vst v63  }
0x174: {  	_ =	swait.ge [sflag:s24], $0x3400  }
0x175: {  	[sflag:s24] =	ssyncset.done $0x0  }
0x176: {  	s28 =	rddreg [dreg:$0x17];
	[sflag:s24] =	ssyncadd.s32 $0xFFFFCC00  }
0x177: {  	[hbm4b:s28+s3] =	stream.linear.scatter [tilespmem:s19], [sflag:$0xF], $0x3400, $0x38;
	[tilespmem:$0x1D400] =	vst v63  }
0x178: {  	_ =	swait.ge [sflag:s26], $0x3400  }
0x179: {  	[sflag:s26] =	ssyncset.done $0x0  }
0x17a: {  	s7 =	rddreg [dreg:$0x18];
	[sflag:s26] =	ssyncadd.s32 $0xFFFFCC00  }
0x17b: {  	[hbm4b:s7+s3] =	stream.linear.scatter [tilespmem:s21], [sflag:$0x10], $0x3400, $0x38;
	[tilespmem:$0x1D400] =	vst v63  }
0x17c: {  	_ =	swait.ge [sflag:s30], $0x3400  }
0x17d: {  	[sflag:s30] =	ssyncset.done $0x0  }
0x17e: {  	s8 =	rddreg [dreg:$0x19];
	[sflag:s30] =	ssyncadd.s32 $0xFFFFCC00  }
0x17f: {  	[hbm4b:s8+s3] =	stream.linear.scatter [tilespmem:s23], [sflag:$0x11], $0x3400, $0x38;
	[tilespmem:$0x1D400] =	vst v63  }
0x180: {  	_ =	swait.ge [sflag:s25], $0x3400  }
0x181: {  	[sflag:s25] =	ssyncset.done $0x0  }
0x182: {  	[sflag:s25] =	ssyncadd.s32 $0xFFFFCC00  }
0x183: {  	_ =	swait.ge [sflag:s29], $0x3400  }
0x184: {  	[sflag:s29] =	ssyncset.done $0x0  }
0x185: {  	[sflag:s29] =	ssyncadd.s32 $0xFFFFCC00  }
0x186: {  	_ =	swait.ge [sflag:s31], $0x3400  }
0x187: {  	[sflag:s31] =	ssyncset.done $0x0  }
0x188: {  	[sflag:s31] =	ssyncadd.s32 $0xFFFFCC00  }
0x189: {  	_ =	swait.ge [sflag:s1], $0x3400  }
0x18a: {  	[sflag:s1] =	ssyncset.done $0x0  }
0x18b: {  	[sflag:s1] =	ssyncadd.s32 $0xFFFFCC00  }
0x18c: {  	_ =	swait.ge [sflag:s0], $0x3400  }
0x18d: {  	[sflag:s0] =	ssyncset.done $0x0  }
0x18e: {  	[sflag:s0] =	ssyncadd.s32 $0xFFFFCC00  }
0x18f: {  	_ =	swait.ge [sflag:s4], $0x3400  }
0x190: {  	[sflag:s4] =	ssyncset.done $0x0  }
0x191: {  	[sflag:s4] =	ssyncadd.s32 $0xFFFFCC00  }
0x192: {  	_ =	swait.ge [sflag:s5], $0x3400  }
0x193: {  	[sflag:s5] =	ssyncset.done $0x0  }
0x194: {  	[sflag:s5] =	ssyncadd.s32 $0xFFFFCC00  }
0x195: {  	_ =	swait.ge [sflag:s17], $0x3400  }
0x196: {  	s7 =	sld [smem:$0x7FA];
	_ =	sdelay $0x2  }
0x197: {  	s28 =	rddreg [dreg:$0x1a];
	s7 =	sadd.s32 $0x1, s7  }
0x198: {  	p0 =	sne.s32 s7, s28  }
.Ltmp1:
0x199: {  	_ = 	snop;
	(pc) =	sbr.rel @p0 .LBB2_1-.Ltmp1, $3  }
0x19a: {  	_ =	sdelay $0x1  }
0x19b: {  	[sflag:s17] =	ssyncset.done $0x0  }
0x19c: {  	[sflag:s17] =	ssyncadd.s32 $0xFFFFCC00  }
0x19d: {  	_ =	sfence.sel $0x180000  }
0x19e: {  	[bflag:$0x0] =	sbarrier.arrive $0xFFFF  }
0x19f: {  	_ =	strace $0x90000047  }
0x1a0: {  	s0 =	stileid.u32;
	[bflag:$0x2] =	sbarrier.arrive $0xFFFF  }
0x1a1: {  	p0 =	sne.s32 s0, $0x0;
	s0 =	rddreg [dreg:$0x3]  }
0x1a2: {  	s0 =	sadd.s32 @!p0 $0x100000, s0  }
0x1a3: {  	[sflag:s0] =	ssyncadd.tile.s32 @!p0 $0x1;
	_ =	shalt  }
.Lfunc_end2:
_tile_overlayer_lowered:
.L_overlay_start_2:
0x1a4: {  	(tag) =	ssettag $0x2  }
0x1a5: {  	s0 =	rddreg [dreg:$0x0];
	s2 =	stileid.u32  }
0x1a6: {  	s1 =	rddreg [dreg:$0x1];
	p0 =	sne.s32 s2, $0x0  }
0x1a7: {  	s3 =	rddreg [dreg:$0x2];
	[bflag:$0x3] =	sbarrier.arrive $0xFFFF;
	s2 =	simm.s32 @!p0 $0x1C12  }
0x1a8: {  	[timem:s3], [sflag:s2] =	dma.local @!p0 [hbm:s0], s1  }
0x1a9: {  	s0 =	simm.s32 @!p0 $0x12  }
0x1aa: {  	_ =	swait.ge @!p0 [sflag:s0], s1  }
0x1ab: {  	s1 =	ssub.s32 @!p0 $0x0, s1;
	[sflag:s0] =	ssyncset.done @!p0 $0x0  }
0x1ac: {  	[sflag:s0] =	ssyncadd.s32 @!p0 s1  }
0x1ad: {  	[bflag:$0x3] =	sbarrier.arrive $0xFFFF  }
0x1ae: {  	_ =	shalt  }

</sc_bundles>
